<compile_context>
chip_gen: v7x
topology: tpu7x:2x2x1
jax: 0.10.2.dev20260603
libtpu: 0.0.44.dev20260713+nightly
codegen_flags: <defaults>
</compile_context>

<pallas_src>
import functools

import jax
import jax.numpy as jnp
from jax import lax
from jax.experimental import pallas as pl
from jax.experimental.pallas import tpu as pltpu
from jax.experimental.pallas import tpu_sc as plsc



def _relayout_body(top_ref, bot_ref, o_ref):
    d = top_ref.shape[0]
    eye = (lax.broadcasted_iota(jnp.int32, (d, d), 0)
           == lax.broadcasted_iota(jnp.int32, (d, d), 1)).astype(jnp.float32)
    dn = (((0,), (0,)), ((), ()))
    t = lax.dot_general(top_ref[...], eye, dn, preferred_element_type=jnp.float32)
    u = lax.dot_general(bot_ref[...], eye, dn, preferred_element_type=jnp.float32)
    o_ref[...] = jnp.concatenate([t, u], axis=1)


def _relayout(embT, VT, K):
    D, V = embT.shape
    n = K // VT
    last = pl.cdiv(V, VT) - 1
    return pl.pallas_call(
        _relayout_body,
        grid=(n,),
        in_specs=[
            pl.BlockSpec((D, VT), lambda i: (0, i)),
            pl.BlockSpec((D, VT), lambda i, n=n, last=last:
                         (0, jnp.minimum(i + n, last))),
        ],
        out_specs=pl.BlockSpec((VT, 2 * D), lambda i: (i, 0)),
        out_shape=jax.ShapeDtypeStruct((K, 2 * D), jnp.float32),
        compiler_params=pltpu.CompilerParams(
            dimension_semantics=("arbitrary",),
        ),
    )(embT, embT)



def _make_gather_mean(B, C, NW):
    b_per = B // NW
    n_idx = b_per * C
    CH = 128
    n_ch = n_idx // CH
    n_par_rows = (n_idx * 16) // 128

    mesh = plsc.VectorSubcoreMesh(core_axis_name="c", subcore_axis_name="s")

    @functools.partial(
        pl.kernel, mesh=mesh,
        out_type=jax.ShapeDtypeStruct((B, 64), jnp.float32),
        scratch_types=[
            pltpu.VMEM((n_ch, CH), jnp.int32),
            pltpu.VMEM((n_par_rows, 128), jnp.float32),
            pltpu.VMEM((n_idx, 128), jnp.float32),
            pltpu.VMEM((b_per, 64), jnp.float32),
            pltpu.SemaphoreType.DMA,
        ],
        compiler_params=pltpu.CompilerParams(use_tc_tiling_on_sc=True),
    )
    def gather_mean(ctx_hbm, par_hbm, table_hbm, out_hbm,
                    idx_v, par_v, rows_v, acc_v, sem):
        wid = lax.axis_index("s") * 2 + lax.axis_index("c")
        pltpu.sync_copy(ctx_hbm.at[wid], idx_v)
        pltpu.sync_copy(par_hbm.at[wid], par_v)
        copies = [
            pltpu.async_copy(table_hbm.at[idx_v.at[j]],
                             rows_v.at[pl.ds(j * CH, CH)], sem)
            for j in range(n_ch)
        ]
        for cp in copies:
            cp.wait()

        scale = jnp.float32(1.0 / C)

        def body(bi, carry):
            base = bi * C
            accs = [jnp.zeros((16,), jnp.float32) for _ in range(4)]
            for j in range(C):
                flat = (base + j) * 16
                w = par_v[flat >> 7, pl.ds(flat & 127, 16)]
                for ch in range(4):
                    lo = rows_v[base + j, pl.ds(ch * 16, 16)]
                    hi = rows_v[base + j, pl.ds(64 + ch * 16, 16)]
                    accs[ch] = accs[ch] + (lo + (hi - lo) * w)
            for ch in range(4):
                acc_v[bi, pl.ds(ch * 16, 16)] = accs[ch] * scale
            return carry

        lax.fori_loop(0, b_per, body, 0)
        pltpu.sync_copy(acc_v, out_hbm.at[pl.ds(wid * b_per, b_per)])

    return gather_mean



def _proj_body(x_ref, wt_ref, b_ref, o_ref):
    vb = o_ref.shape[0]
    o_ref[...] = lax.dot_general(
        wt_ref[...], x_ref[...], (((0,), (1,)), ((), ())),
        preferred_element_type=jnp.float32,
    ) + jnp.reshape(b_ref[...], (vb, 1))


def _projection_t(x, WT, b, VB):
    B, D = x.shape
    V = WT.shape[1]
    grid = (pl.cdiv(V, VB),)
    return pl.pallas_call(
        _proj_body,
        grid=grid,
        in_specs=[
            pl.BlockSpec((B, D), lambda i: (0, 0)),
            pl.BlockSpec((D, VB), lambda i: (0, i)),
            pl.BlockSpec((VB,), lambda i: (i,)),
        ],
        out_specs=pl.BlockSpec((VB, B), lambda i: (i, 0)),
        out_shape=jax.ShapeDtypeStruct((V, B), jnp.float32),
        compiler_params=pltpu.CompilerParams(
            dimension_semantics=("arbitrary",),
        ),
    )(x, WT, b)


def kernel(context, embeddings, W, b):
    B, C = context.shape
    V, D = embeddings.shape
    NW = 32
    K = 51200
    ctx = context.astype(jnp.int32)
    idx3 = jnp.where(ctx < K, ctx, ctx - K).reshape(NW, -1, 128)
    par = (ctx >= K).astype(jnp.float32).reshape(NW, -1, 1)
    par16 = jnp.broadcast_to(par, par.shape[:2] + (16,)).reshape(NW, -1, 128)
    pairs = _relayout(embeddings.T, VT=2048, K=K)
    x = _make_gather_mean(B, C, NW)(idx3, par16, pairs)
    outT = _projection_t(x, W.T, b, VB=2048)
    return outT.T

# --- scband reference (transcript-rebuilt; emitter-appended) ---
"""Pipeline reference for scband-cbowmodel-3092376453755 (READ-ONLY COPY).

The authoritative reference and input builder live on the scoring server;
editing this copy changes nothing except your own understanding.
"""

import jax, jax.numpy as jnp
import numpy as np

VOCAB = 100000
EMB = 64
BATCH = 1024
CTX = 20

def setup_inputs(seed: int = 0) -> dict:
    key = jax.random.key(seed)
    k1, k2, k3, k4 = jax.random.split(key, 4)
    context = jax.random.randint(k1, (BATCH, CTX), 0, VOCAB, dtype=jnp.int64 if jax.config.jax_enable_x64 else jnp.int32)
    embeddings = jax.random.normal(k2, (VOCAB, EMB), dtype=jnp.float32) * 0.02
    # torch nn.Linear(embedding_dim, vocab_size): weight [vocab, emb], bias [vocab]
    W = jax.random.normal(k3, (VOCAB, EMB), dtype=jnp.float32) * 0.02
    b = jax.random.normal(k4, (VOCAB,), dtype=jnp.float32) * 0.02
    return {"context": context, "embeddings": embeddings, "W": W, "b": b}

def reference(context, embeddings, W, b):
    # embedding lookup: [B, CTX, EMB]
    context_embedding = jnp.take(embeddings, context, axis=0)
    # mean over context dim: [B, EMB]
    context_vector = jnp.mean(context_embedding, axis=1)
    # linear projection to vocab: [B, VOCAB]
    output = context_vector @ W.T + b
    return output

if __name__ == "__main__":
    import jax
    _d = setup_inputs()
    print(jax.jit(kernel)(*tuple(_d.values())))

</pallas_src>

<mosaic_0001>
#map = affine_map<(d0, d1) -> (0, 0, 0)>
#map1 = affine_map<(d0, d1) -> (0, 0)>
module attributes {stable_mosaic.version = 14 : i64} {
  func.func @gather_mean(%arg0: i32, %arg1: i32, %arg2: memref<32x5x128xi32, #tpu.memory_space<hbm>>, %arg3: memref<32x80x128xf32, #tpu.memory_space<hbm>>, %arg4: memref<51200x128xf32, #tpu.memory_space<hbm>>, %arg5: memref<1024x64xf32, #tpu.memory_space<hbm>>, %arg6: memref<5x128xi32, #tpu.memory_space<vmem>>, %arg7: memref<80x128xf32, #tpu.memory_space<vmem>>, %arg8: memref<640x128xf32, #tpu.memory_space<vmem>>, %arg9: memref<32x64xf32, #tpu.memory_space<vmem>>, %arg10: memref<!tpu.dma_semaphore, #tpu.memory_space<semaphore_mem>>) attributes {dimension_semantics = [#tpu.dimension_semantics<core_parallel>, #tpu.dimension_semantics<subcore_parallel>], iteration_bounds = array<i64: 2, 16>, scalar_prefetch = 0 : i64, scratch_operands = 5 : i64, tpu.core_type = #tpu.core_type<sc_vector_subcore>, window_params = [{transform_indices = #map}, {transform_indices = #map}, {transform_indices = #map1}, {transform_indices = #map1}]} {
    %mul3A = arith.constant 2 : i32
    %mul3A_0 = arith.muli %arg1, %mul3A : i32
    %add3A = arith.addi %mul3A_0, %arg0 : i32
    "tpu.region"() ({
      %run_scoped3A = tpu.sem_alloc : memref<!tpu.dma_semaphore, #tpu.memory_space<semaphore_mem>>
      %dma_start3A_107 = arith.constant 0 : i32
      %dma_start3A_108 = arith.constant 0 : i32
      %dma_start3A_109 = tpu.memref_slice %arg2[%add3A, %dma_start3A_107, %dma_start3A_108] : memref<32x5x128xi32, #tpu.memory_space<hbm>> -> memref<1x5x128xi32, #tpu.memory_space<hbm>>
      %dma_start3A_110 = tpu.memref_squeeze %dma_start3A_109 : memref<1x5x128xi32, #tpu.memory_space<hbm>> -> memref<5x128xi32, #tpu.memory_space<hbm>>
      %dma_start3A_111 = arith.constant 0 : i32
      %dma_start3A_112 = arith.constant 0 : i32
      %dma_start3A_113 = tpu.memref_slice %arg2[%add3A, %dma_start3A_111, %dma_start3A_112] : memref<32x5x128xi32, #tpu.memory_space<hbm>> -> memref<1x5x128xi32, #tpu.memory_space<hbm>>
      %dma_start3A_114 = tpu.memref_squeeze %dma_start3A_113 : memref<1x5x128xi32, #tpu.memory_space<hbm>> -> memref<5x128xi32, #tpu.memory_space<hbm>>
      tpu.enqueue_dma source(%dma_start3A_114 : memref<5x128xi32, #tpu.memory_space<hbm>>) target(%arg6 : memref<5x128xi32, #tpu.memory_space<vmem>>) target_semaphore(%run_scoped3A : memref<!tpu.dma_semaphore, #tpu.memory_space<semaphore_mem>>)
      %dma_wait3A_115 = arith.constant 0 : i32
      %dma_wait3A_116 = arith.constant 0 : i32
      %dma_wait3A_117 = tpu.memref_slice %arg2[%add3A, %dma_wait3A_115, %dma_wait3A_116] : memref<32x5x128xi32, #tpu.memory_space<hbm>> -> memref<1x5x128xi32, #tpu.memory_space<hbm>>
      %dma_wait3A_118 = tpu.memref_squeeze %dma_wait3A_117 : memref<1x5x128xi32, #tpu.memory_space<hbm>> -> memref<5x128xi32, #tpu.memory_space<hbm>>
      %dma_wait3A_119 = arith.constant 0 : i32
      %dma_wait3A_120 = arith.constant 0 : i32
      %dma_wait3A_121 = tpu.memref_slice %arg2[%add3A, %dma_wait3A_119, %dma_wait3A_120] : memref<32x5x128xi32, #tpu.memory_space<hbm>> -> memref<1x5x128xi32, #tpu.memory_space<hbm>>
      %dma_wait3A_122 = tpu.memref_squeeze %dma_wait3A_121 : memref<1x5x128xi32, #tpu.memory_space<hbm>> -> memref<5x128xi32, #tpu.memory_space<hbm>>
      tpu.wait_dma2 semaphore(%run_scoped3A : memref<!tpu.dma_semaphore, #tpu.memory_space<semaphore_mem>>) src(%dma_wait3A_122 : memref<5x128xi32, #tpu.memory_space<hbm>>) dst(%arg6 : memref<5x128xi32, #tpu.memory_space<vmem>>)
      tpu.yield
    }) : () -> ()
    "tpu.region"() ({
      %run_scoped3A = tpu.sem_alloc : memref<!tpu.dma_semaphore, #tpu.memory_space<semaphore_mem>>
      %dma_start3A_107 = arith.constant 0 : i32
      %dma_start3A_108 = arith.constant 0 : i32
      %dma_start3A_109 = tpu.memref_slice %arg3[%add3A, %dma_start3A_107, %dma_start3A_108] : memref<32x80x128xf32, #tpu.memory_space<hbm>> -> memref<1x80x128xf32, #tpu.memory_space<hbm>>
      %dma_start3A_110 = tpu.memref_squeeze %dma_start3A_109 : memref<1x80x128xf32, #tpu.memory_space<hbm>> -> memref<80x128xf32, #tpu.memory_space<hbm>>
      %dma_start3A_111 = arith.constant 0 : i32
      %dma_start3A_112 = arith.constant 0 : i32
      %dma_start3A_113 = tpu.memref_slice %arg3[%add3A, %dma_start3A_111, %dma_start3A_112] : memref<32x80x128xf32, #tpu.memory_space<hbm>> -> memref<1x80x128xf32, #tpu.memory_space<hbm>>
      %dma_start3A_114 = tpu.memref_squeeze %dma_start3A_113 : memref<1x80x128xf32, #tpu.memory_space<hbm>> -> memref<80x128xf32, #tpu.memory_space<hbm>>
      tpu.enqueue_dma source(%dma_start3A_114 : memref<80x128xf32, #tpu.memory_space<hbm>>) target(%arg7 : memref<80x128xf32, #tpu.memory_space<vmem>>) target_semaphore(%run_scoped3A : memref<!tpu.dma_semaphore, #tpu.memory_space<semaphore_mem>>)
      %dma_wait3A_115 = arith.constant 0 : i32
      %dma_wait3A_116 = arith.constant 0 : i32
      %dma_wait3A_117 = tpu.memref_slice %arg3[%add3A, %dma_wait3A_115, %dma_wait3A_116] : memref<32x80x128xf32, #tpu.memory_space<hbm>> -> memref<1x80x128xf32, #tpu.memory_space<hbm>>
      %dma_wait3A_118 = tpu.memref_squeeze %dma_wait3A_117 : memref<1x80x128xf32, #tpu.memory_space<hbm>> -> memref<80x128xf32, #tpu.memory_space<hbm>>
      %dma_wait3A_119 = arith.constant 0 : i32
      %dma_wait3A_120 = arith.constant 0 : i32
      %dma_wait3A_121 = tpu.memref_slice %arg3[%add3A, %dma_wait3A_119, %dma_wait3A_120] : memref<32x80x128xf32, #tpu.memory_space<hbm>> -> memref<1x80x128xf32, #tpu.memory_space<hbm>>
      %dma_wait3A_122 = tpu.memref_squeeze %dma_wait3A_121 : memref<1x80x128xf32, #tpu.memory_space<hbm>> -> memref<80x128xf32, #tpu.memory_space<hbm>>
      tpu.wait_dma2 semaphore(%run_scoped3A : memref<!tpu.dma_semaphore, #tpu.memory_space<semaphore_mem>>) src(%dma_wait3A_122 : memref<80x128xf32, #tpu.memory_space<hbm>>) dst(%arg7 : memref<80x128xf32, #tpu.memory_space<vmem>>)
      tpu.yield
    }) : () -> ()
    %dma_start3A = arith.constant 0 : i32
    %dma_start3A_1 = arith.constant 0 : i32
    %dma_start3A_2 = arith.constant 0 : i32
    %dma_start3A_3 = tpu.memref_slice %arg8[%dma_start3A_1, %dma_start3A_2] : memref<640x128xf32, #tpu.memory_space<vmem>> -> memref<128x128xf32, #tpu.memory_space<vmem>>
    %dma_start3A_4 = arith.constant 0 : i32
    %dma_start3A_5 = tpu.memref_slice %arg6[%dma_start3A, %dma_start3A_4] : memref<5x128xi32, #tpu.memory_space<vmem>> -> memref<1x128xi32, #tpu.memory_space<vmem>>
    %dma_start3A_6 = tpu.memref_squeeze %dma_start3A_5 : memref<1x128xi32, #tpu.memory_space<vmem>> -> memref<128xi32, #tpu.memory_space<vmem>>
    %dma_start3A_7 = arith.constant 0 : i32
    %dma_start3A_8 = arith.constant 0 : i32
    %dma_start3A_9 = tpu.memref_slice %arg4[%dma_start3A_7, %dma_start3A_8] : memref<51200x128xf32, #tpu.memory_space<hbm>> -> memref<51200x128xf32, #tpu.memory_space<hbm>>
    tpu.enqueue_indirect_dma source(%dma_start3A_9 : memref<51200x128xf32, #tpu.memory_space<hbm>>) target(%dma_start3A_3 : memref<128x128xf32, #tpu.memory_space<vmem>>) offsets(%dma_start3A_6 : memref<128xi32, #tpu.memory_space<vmem>>) semaphore(%arg10 : memref<!tpu.dma_semaphore, #tpu.memory_space<semaphore_mem>>)
    %dma_start3A_10 = arith.constant 1 : i32
    %dma_start3A_11 = arith.constant 128 : i32
    %dma_start3A_12 = arith.constant 0 : i32
    %dma_start3A_13 = tpu.memref_slice %arg8[%dma_start3A_11, %dma_start3A_12] : memref<640x128xf32, #tpu.memory_space<vmem>> -> memref<128x128xf32, #tpu.memory_space<vmem>>
    %dma_start3A_14 = arith.constant 0 : i32
    %dma_start3A_15 = tpu.memref_slice %arg6[%dma_start3A_10, %dma_start3A_14] : memref<5x128xi32, #tpu.memory_space<vmem>> -> memref<1x128xi32, #tpu.memory_space<vmem>>
    %dma_start3A_16 = tpu.memref_squeeze %dma_start3A_15 : memref<1x128xi32, #tpu.memory_space<vmem>> -> memref<128xi32, #tpu.memory_space<vmem>>
    %dma_start3A_17 = arith.constant 0 : i32
    %dma_start3A_18 = arith.constant 0 : i32
    %dma_start3A_19 = tpu.memref_slice %arg4[%dma_start3A_17, %dma_start3A_18] : memref<51200x128xf32, #tpu.memory_space<hbm>> -> memref<51200x128xf32, #tpu.memory_space<hbm>>
    tpu.enqueue_indirect_dma source(%dma_start3A_19 : memref<51200x128xf32, #tpu.memory_space<hbm>>) target(%dma_start3A_13 : memref<128x128xf32, #tpu.memory_space<vmem>>) offsets(%dma_start3A_16 : memref<128xi32, #tpu.memory_space<vmem>>) semaphore(%arg10 : memref<!tpu.dma_semaphore, #tpu.memory_space<semaphore_mem>>)
    %dma_start3A_20 = arith.constant 2 : i32
    %dma_start3A_21 = arith.constant 256 : i32
    %dma_start3A_22 = arith.constant 0 : i32
    %dma_start3A_23 = tpu.memref_slice %arg8[%dma_start3A_21, %dma_start3A_22] : memref<640x128xf32, #tpu.memory_space<vmem>> -> memref<128x128xf32, #tpu.memory_space<vmem>>
    %dma_start3A_24 = arith.constant 0 : i32
    %dma_start3A_25 = tpu.memref_slice %arg6[%dma_start3A_20, %dma_start3A_24] : memref<5x128xi32, #tpu.memory_space<vmem>> -> memref<1x128xi32, #tpu.memory_space<vmem>>
    %dma_start3A_26 = tpu.memref_squeeze %dma_start3A_25 : memref<1x128xi32, #tpu.memory_space<vmem>> -> memref<128xi32, #tpu.memory_space<vmem>>
    %dma_start3A_27 = arith.constant 0 : i32
    %dma_start3A_28 = arith.constant 0 : i32
    %dma_start3A_29 = tpu.memref_slice %arg4[%dma_start3A_27, %dma_start3A_28] : memref<51200x128xf32, #tpu.memory_space<hbm>> -> memref<51200x128xf32, #tpu.memory_space<hbm>>
    tpu.enqueue_indirect_dma source(%dma_start3A_29 : memref<51200x128xf32, #tpu.memory_space<hbm>>) target(%dma_start3A_23 : memref<128x128xf32, #tpu.memory_space<vmem>>) offsets(%dma_start3A_26 : memref<128xi32, #tpu.memory_space<vmem>>) semaphore(%arg10 : memref<!tpu.dma_semaphore, #tpu.memory_space<semaphore_mem>>)
    %dma_start3A_30 = arith.constant 3 : i32
    %dma_start3A_31 = arith.constant 384 : i32
    %dma_start3A_32 = arith.constant 0 : i32
    %dma_start3A_33 = tpu.memref_slice %arg8[%dma_start3A_31, %dma_start3A_32] : memref<640x128xf32, #tpu.memory_space<vmem>> -> memref<128x128xf32, #tpu.memory_space<vmem>>
    %dma_start3A_34 = arith.constant 0 : i32
    %dma_start3A_35 = tpu.memref_slice %arg6[%dma_start3A_30, %dma_start3A_34] : memref<5x128xi32, #tpu.memory_space<vmem>> -> memref<1x128xi32, #tpu.memory_space<vmem>>
    %dma_start3A_36 = tpu.memref_squeeze %dma_start3A_35 : memref<1x128xi32, #tpu.memory_space<vmem>> -> memref<128xi32, #tpu.memory_space<vmem>>
    %dma_start3A_37 = arith.constant 0 : i32
    %dma_start3A_38 = arith.constant 0 : i32
    %dma_start3A_39 = tpu.memref_slice %arg4[%dma_start3A_37, %dma_start3A_38] : memref<51200x128xf32, #tpu.memory_space<hbm>> -> memref<51200x128xf32, #tpu.memory_space<hbm>>
    tpu.enqueue_indirect_dma source(%dma_start3A_39 : memref<51200x128xf32, #tpu.memory_space<hbm>>) target(%dma_start3A_33 : memref<128x128xf32, #tpu.memory_space<vmem>>) offsets(%dma_start3A_36 : memref<128xi32, #tpu.memory_space<vmem>>) semaphore(%arg10 : memref<!tpu.dma_semaphore, #tpu.memory_space<semaphore_mem>>)
    %dma_start3A_40 = arith.constant 4 : i32
    %dma_start3A_41 = arith.constant 512 : i32
    %dma_start3A_42 = arith.constant 0 : i32
    %dma_start3A_43 = tpu.memref_slice %arg8[%dma_start3A_41, %dma_start3A_42] : memref<640x128xf32, #tpu.memory_space<vmem>> -> memref<128x128xf32, #tpu.memory_space<vmem>>
    %dma_start3A_44 = arith.constant 0 : i32
    %dma_start3A_45 = tpu.memref_slice %arg6[%dma_start3A_40, %dma_start3A_44] : memref<5x128xi32, #tpu.memory_space<vmem>> -> memref<1x128xi32, #tpu.memory_space<vmem>>
    %dma_start3A_46 = tpu.memref_squeeze %dma_start3A_45 : memref<1x128xi32, #tpu.memory_space<vmem>> -> memref<128xi32, #tpu.memory_space<vmem>>
    %dma_start3A_47 = arith.constant 0 : i32
    %dma_start3A_48 = arith.constant 0 : i32
    %dma_start3A_49 = tpu.memref_slice %arg4[%dma_start3A_47, %dma_start3A_48] : memref<51200x128xf32, #tpu.memory_space<hbm>> -> memref<51200x128xf32, #tpu.memory_space<hbm>>
    tpu.enqueue_indirect_dma source(%dma_start3A_49 : memref<51200x128xf32, #tpu.memory_space<hbm>>) target(%dma_start3A_43 : memref<128x128xf32, #tpu.memory_space<vmem>>) offsets(%dma_start3A_46 : memref<128xi32, #tpu.memory_space<vmem>>) semaphore(%arg10 : memref<!tpu.dma_semaphore, #tpu.memory_space<semaphore_mem>>)
    %dma_wait3A = arith.constant 0 : i32
    %dma_wait3A_50 = arith.constant 0 : i32
    %dma_wait3A_51 = arith.constant 0 : i32
    %dma_wait3A_52 = tpu.memref_slice %arg8[%dma_wait3A_50, %dma_wait3A_51] : memref<640x128xf32, #tpu.memory_space<vmem>> -> memref<128x128xf32, #tpu.memory_space<vmem>>
    %dma_wait3A_53 = arith.constant 0 : i32
    %dma_wait3A_54 = tpu.memref_slice %arg6[%dma_wait3A, %dma_wait3A_53] : memref<5x128xi32, #tpu.memory_space<vmem>> -> memref<1x128xi32, #tpu.memory_space<vmem>>
    %dma_wait3A_55 = tpu.memref_squeeze %dma_wait3A_54 : memref<1x128xi32, #tpu.memory_space<vmem>> -> memref<128xi32, #tpu.memory_space<vmem>>
    %dma_wait3A_56 = arith.constant 0 : i32
    %dma_wait3A_57 = arith.constant 0 : i32
    %dma_wait3A_58 = tpu.memref_slice %arg4[%dma_wait3A_56, %dma_wait3A_57] : memref<51200x128xf32, #tpu.memory_space<hbm>> -> memref<51200x128xf32, #tpu.memory_space<hbm>>
    tpu.wait_indirect_dma semaphore(%arg10 : memref<!tpu.dma_semaphore, #tpu.memory_space<semaphore_mem>>) src(%dma_wait3A_58 : memref<51200x128xf32, #tpu.memory_space<hbm>>) dst(%dma_wait3A_52 : memref<128x128xf32, #tpu.memory_space<vmem>>)
    %dma_wait3A_59 = arith.constant 1 : i32
    %dma_wait3A_60 = arith.constant 128 : i32
    %dma_wait3A_61 = arith.constant 0 : i32
    %dma_wait3A_62 = tpu.memref_slice %arg8[%dma_wait3A_60, %dma_wait3A_61] : memref<640x128xf32, #tpu.memory_space<vmem>> -> memref<128x128xf32, #tpu.memory_space<vmem>>
    %dma_wait3A_63 = arith.constant 0 : i32
    %dma_wait3A_64 = tpu.memref_slice %arg6[%dma_wait3A_59, %dma_wait3A_63] : memref<5x128xi32, #tpu.memory_space<vmem>> -> memref<1x128xi32, #tpu.memory_space<vmem>>
    %dma_wait3A_65 = tpu.memref_squeeze %dma_wait3A_64 : memref<1x128xi32, #tpu.memory_space<vmem>> -> memref<128xi32, #tpu.memory_space<vmem>>
    %dma_wait3A_66 = arith.constant 0 : i32
    %dma_wait3A_67 = arith.constant 0 : i32
    %dma_wait3A_68 = tpu.memref_slice %arg4[%dma_wait3A_66, %dma_wait3A_67] : memref<51200x128xf32, #tpu.memory_space<hbm>> -> memref<51200x128xf32, #tpu.memory_space<hbm>>
    tpu.wait_indirect_dma semaphore(%arg10 : memref<!tpu.dma_semaphore, #tpu.memory_space<semaphore_mem>>) src(%dma_wait3A_68 : memref<51200x128xf32, #tpu.memory_space<hbm>>) dst(%dma_wait3A_62 : memref<128x128xf32, #tpu.memory_space<vmem>>)
    %dma_wait3A_69 = arith.constant 2 : i32
    %dma_wait3A_70 = arith.constant 256 : i32
    %dma_wait3A_71 = arith.constant 0 : i32
    %dma_wait3A_72 = tpu.memref_slice %arg8[%dma_wait3A_70, %dma_wait3A_71] : memref<640x128xf32, #tpu.memory_space<vmem>> -> memref<128x128xf32, #tpu.memory_space<vmem>>
    %dma_wait3A_73 = arith.constant 0 : i32
    %dma_wait3A_74 = tpu.memref_slice %arg6[%dma_wait3A_69, %dma_wait3A_73] : memref<5x128xi32, #tpu.memory_space<vmem>> -> memref<1x128xi32, #tpu.memory_space<vmem>>
    %dma_wait3A_75 = tpu.memref_squeeze %dma_wait3A_74 : memref<1x128xi32, #tpu.memory_space<vmem>> -> memref<128xi32, #tpu.memory_space<vmem>>
    %dma_wait3A_76 = arith.constant 0 : i32
    %dma_wait3A_77 = arith.constant 0 : i32
    %dma_wait3A_78 = tpu.memref_slice %arg4[%dma_wait3A_76, %dma_wait3A_77] : memref<51200x128xf32, #tpu.memory_space<hbm>> -> memref<51200x128xf32, #tpu.memory_space<hbm>>
    tpu.wait_indirect_dma semaphore(%arg10 : memref<!tpu.dma_semaphore, #tpu.memory_space<semaphore_mem>>) src(%dma_wait3A_78 : memref<51200x128xf32, #tpu.memory_space<hbm>>) dst(%dma_wait3A_72 : memref<128x128xf32, #tpu.memory_space<vmem>>)
    %dma_wait3A_79 = arith.constant 3 : i32
    %dma_wait3A_80 = arith.constant 384 : i32
    %dma_wait3A_81 = arith.constant 0 : i32
    %dma_wait3A_82 = tpu.memref_slice %arg8[%dma_wait3A_80, %dma_wait3A_81] : memref<640x128xf32, #tpu.memory_space<vmem>> -> memref<128x128xf32, #tpu.memory_space<vmem>>
    %dma_wait3A_83 = arith.constant 0 : i32
    %dma_wait3A_84 = tpu.memref_slice %arg6[%dma_wait3A_79, %dma_wait3A_83] : memref<5x128xi32, #tpu.memory_space<vmem>> -> memref<1x128xi32, #tpu.memory_space<vmem>>
    %dma_wait3A_85 = tpu.memref_squeeze %dma_wait3A_84 : memref<1x128xi32, #tpu.memory_space<vmem>> -> memref<128xi32, #tpu.memory_space<vmem>>
    %dma_wait3A_86 = arith.constant 0 : i32
    %dma_wait3A_87 = arith.constant 0 : i32
    %dma_wait3A_88 = tpu.memref_slice %arg4[%dma_wait3A_86, %dma_wait3A_87] : memref<51200x128xf32, #tpu.memory_space<hbm>> -> memref<51200x128xf32, #tpu.memory_space<hbm>>
    tpu.wait_indirect_dma semaphore(%arg10 : memref<!tpu.dma_semaphore, #tpu.memory_space<semaphore_mem>>) src(%dma_wait3A_88 : memref<51200x128xf32, #tpu.memory_space<hbm>>) dst(%dma_wait3A_82 : memref<128x128xf32, #tpu.memory_space<vmem>>)
    %dma_wait3A_89 = arith.constant 4 : i32
    %dma_wait3A_90 = arith.constant 512 : i32
    %dma_wait3A_91 = arith.constant 0 : i32
    %dma_wait3A_92 = tpu.memref_slice %arg8[%dma_wait3A_90, %dma_wait3A_91] : memref<640x128xf32, #tpu.memory_space<vmem>> -> memref<128x128xf32, #tpu.memory_space<vmem>>
    %dma_wait3A_93 = arith.constant 0 : i32
    %dma_wait3A_94 = tpu.memref_slice %arg6[%dma_wait3A_89, %dma_wait3A_93] : memref<5x128xi32, #tpu.memory_space<vmem>> -> memref<1x128xi32, #tpu.memory_space<vmem>>
    %dma_wait3A_95 = tpu.memref_squeeze %dma_wait3A_94 : memref<1x128xi32, #tpu.memory_space<vmem>> -> memref<128xi32, #tpu.memory_space<vmem>>
    %dma_wait3A_96 = arith.constant 0 : i32
    %dma_wait3A_97 = arith.constant 0 : i32
    %dma_wait3A_98 = tpu.memref_slice %arg4[%dma_wait3A_96, %dma_wait3A_97] : memref<51200x128xf32, #tpu.memory_space<hbm>> -> memref<51200x128xf32, #tpu.memory_space<hbm>>
    tpu.wait_indirect_dma semaphore(%arg10 : memref<!tpu.dma_semaphore, #tpu.memory_space<semaphore_mem>>) src(%dma_wait3A_98 : memref<51200x128xf32, #tpu.memory_space<hbm>>) dst(%dma_wait3A_92 : memref<128x128xf32, #tpu.memory_space<vmem>>)
    %scan3A = arith.constant 0 : i32
    %scan3A_99 = arith.constant 5.000000e-02 : f32
    %scan3A_100 = arith.constant 0 : i32
    %scan3A_101 = arith.constant 32 : i32
    %scan3A_102 = arith.addi %scan3A_100, %scan3A_101 : i32
    %scan3A_103 = arith.constant 1 : i32
    scf.for %scan3A_107 = %scan3A_100 to %scan3A_102 step %scan3A_103  : i32 {
      %mul3A_108 = arith.constant 20 : i32
      %mul3A_109 = arith.muli %scan3A_107, %mul3A_108 : i32
      %broadcast_in_dim3A = arith.constant 0.000000e+00 : f32
      %broadcast_in_dim3A_110 = vector.broadcast %broadcast_in_dim3A : f32 to vector<16xf32>
      %broadcast_in_dim3A_111 = arith.constant 0.000000e+00 : f32
      %broadcast_in_dim3A_112 = vector.broadcast %broadcast_in_dim3A_111 : f32 to vector<16xf32>
      %broadcast_in_dim3A_113 = arith.constant 0.000000e+00 : f32
      %broadcast_in_dim3A_114 = vector.broadcast %broadcast_in_dim3A_113 : f32 to vector<16xf32>
      %broadcast_in_dim3A_115 = arith.constant 0.000000e+00 : f32
      %broadcast_in_dim3A_116 = vector.broadcast %broadcast_in_dim3A_115 : f32 to vector<16xf32>
      %add3A_117 = arith.constant 0 : i32
      %add3A_118 = arith.addi %mul3A_109, %add3A_117 : i32
      %mul3A_119 = arith.constant 16 : i32
      %mul3A_120 = arith.muli %add3A_118, %mul3A_119 : i32
      %shift_right_arithmetic3A = arith.constant 7 : i32
      %shift_right_arithmetic3A_121 = arith.shrsi %mul3A_120, %shift_right_arithmetic3A : i32
      %and3A = arith.constant 127 : i32
      %and3A_122 = arith.andi %mul3A_120, %and3A : i32
      %get3A = arith.index_cast %shift_right_arithmetic3A_121 : i32 to index
      %get3A_123 = arith.index_cast %and3A_122 : i32 to index
      %get3A_124 = tpu.vector_load %arg7[%get3A, %get3A_123] {strides = array<i32>} : memref<80x128xf32, #tpu.memory_space<vmem>>, vector<1x16xf32>,
      %get3A_125 = vector.shape_cast %get3A_124 : vector<1x16xf32> to vector<16xf32>
      %add3A_126 = arith.constant 0 : i32
      %add3A_127 = arith.addi %mul3A_109, %add3A_126 : i32
      %get3A_128 = arith.index_cast %add3A_127 : i32 to index
      %get3A_129 = arith.constant 0 : index
      %get3A_130 = tpu.vector_load %arg8[%get3A_128, %get3A_129] {strides = array<i32>} : memref<640x128xf32, #tpu.memory_space<vmem>>, vector<1x16xf32>,
      %get3A_131 = vector.shape_cast %get3A_130 : vector<1x16xf32> to vector<16xf32>
      %add3A_132 = arith.constant 0 : i32
      %add3A_133 = arith.addi %mul3A_109, %add3A_132 : i32
      %get3A_134 = arith.index_cast %add3A_133 : i32 to index
      %get3A_135 = arith.constant 64 : index
      %get3A_136 = tpu.vector_load %arg8[%get3A_134, %get3A_135] {strides = array<i32>} : memref<640x128xf32, #tpu.memory_space<vmem>>, vector<1x16xf32>,
      %get3A_137 = vector.shape_cast %get3A_136 : vector<1x16xf32> to vector<16xf32>
      %sub3A = arith.subf %get3A_137, %get3A_131 : vector<16xf32>
      %mul3A_138 = arith.mulf %sub3A, %get3A_125 : vector<16xf32>
      %add3A_139 = arith.addf %get3A_131, %mul3A_138 : vector<16xf32>
      %add3A_140 = arith.addf %broadcast_in_dim3A_110, %add3A_139 : vector<16xf32>
      %add3A_141 = arith.constant 0 : i32
      %add3A_142 = arith.addi %mul3A_109, %add3A_141 : i32
      %get3A_143 = arith.index_cast %add3A_142 : i32 to index
      %get3A_144 = arith.constant 16 : index
      %get3A_145 = tpu.vector_load %arg8[%get3A_143, %get3A_144] {strides = array<i32>} : memref<640x128xf32, #tpu.memory_space<vmem>>, vector<1x16xf32>,
      %get3A_146 = vector.shape_cast %get3A_145 : vector<1x16xf32> to vector<16xf32>
      %add3A_147 = arith.constant 0 : i32
      %add3A_148 = arith.addi %mul3A_109, %add3A_147 : i32
      %get3A_149 = arith.index_cast %add3A_148 : i32 to index
      %get3A_150 = arith.constant 80 : index
      %get3A_151 = tpu.vector_load %arg8[%get3A_149, %get3A_150] {strides = array<i32>} : memref<640x128xf32, #tpu.memory_space<vmem>>, vector<1x16xf32>,
      %get3A_152 = vector.shape_cast %get3A_151 : vector<1x16xf32> to vector<16xf32>
      %sub3A_153 = arith.subf %get3A_152, %get3A_146 : vector<16xf32>
      %mul3A_154 = arith.mulf %sub3A_153, %get3A_125 : vector<16xf32>
      %add3A_155 = arith.addf %get3A_146, %mul3A_154 : vector<16xf32>
      %add3A_156 = arith.addf %broadcast_in_dim3A_112, %add3A_155 : vector<16xf32>
      %add3A_157 = arith.constant 0 : i32
      %add3A_158 = arith.addi %mul3A_109, %add3A_157 : i32
      %get3A_159 = arith.index_cast %add3A_158 : i32 to index
      %get3A_160 = arith.constant 32 : index
      %get3A_161 = tpu.vector_load %arg8[%get3A_159, %get3A_160] {strides = array<i32>} : memref<640x128xf32, #tpu.memory_space<vmem>>, vector<1x16xf32>,
      %get3A_162 = vector.shape_cast %get3A_161 : vector<1x16xf32> to vector<16xf32>
      %add3A_163 = arith.constant 0 : i32
      %add3A_164 = arith.addi %mul3A_109, %add3A_163 : i32
      %get3A_165 = arith.index_cast %add3A_164 : i32 to index
      %get3A_166 = arith.constant 96 : index
      %get3A_167 = tpu.vector_load %arg8[%get3A_165, %get3A_166] {strides = array<i32>} : memref<640x128xf32, #tpu.memory_space<vmem>>, vector<1x16xf32>,
      %get3A_168 = vector.shape_cast %get3A_167 : vector<1x16xf32> to vector<16xf32>
      %sub3A_169 = arith.subf %get3A_168, %get3A_162 : vector<16xf32>
      %mul3A_170 = arith.mulf %sub3A_169, %get3A_125 : vector<16xf32>
      %add3A_171 = arith.addf %get3A_162, %mul3A_170 : vector<16xf32>
      %add3A_172 = arith.addf %broadcast_in_dim3A_114, %add3A_171 : vector<16xf32>
      %add3A_173 = arith.constant 0 : i32
      %add3A_174 = arith.addi %mul3A_109, %add3A_173 : i32
      %get3A_175 = arith.index_cast %add3A_174 : i32 to index
      %get3A_176 = arith.constant 48 : index
      %get3A_177 = tpu.vector_load %arg8[%get3A_175, %get3A_176] {strides = array<i32>} : memref<640x128xf32, #tpu.memory_space<vmem>>, vector<1x16xf32>,
      %get3A_178 = vector.shape_cast %get3A_177 : vector<1x16xf32> to vector<16xf32>
      %add3A_179 = arith.constant 0 : i32
      %add3A_180 = arith.addi %mul3A_109, %add3A_179 : i32
      %get3A_181 = arith.index_cast %add3A_180 : i32 to index
      %get3A_182 = arith.constant 112 : index
      %get3A_183 = tpu.vector_load %arg8[%get3A_181, %get3A_182] {strides = array<i32>} : memref<640x128xf32, #tpu.memory_space<vmem>>, vector<1x16xf32>,
      %get3A_184 = vector.shape_cast %get3A_183 : vector<1x16xf32> to vector<16xf32>
      %sub3A_185 = arith.subf %get3A_184, %get3A_178 : vector<16xf32>
      %mul3A_186 = arith.mulf %sub3A_185, %get3A_125 : vector<16xf32>
      %add3A_187 = arith.addf %get3A_178, %mul3A_186 : vector<16xf32>
      %add3A_188 = arith.addf %broadcast_in_dim3A_116, %add3A_187 : vector<16xf32>
      %add3A_189 = arith.constant 1 : i32
      %add3A_190 = arith.addi %mul3A_109, %add3A_189 : i32
      %mul3A_191 = arith.constant 16 : i32
      %mul3A_192 = arith.muli %add3A_190, %mul3A_191 : i32
      %shift_right_arithmetic3A_193 = arith.constant 7 : i32
      %shift_right_arithmetic3A_194 = arith.shrsi %mul3A_192, %shift_right_arithmetic3A_193 : i32
      %and3A_195 = arith.constant 127 : i32
      %and3A_196 = arith.andi %mul3A_192, %and3A_195 : i32
      %get3A_197 = arith.index_cast %shift_right_arithmetic3A_194 : i32 to index
      %get3A_198 = arith.index_cast %and3A_196 : i32 to index
      %get3A_199 = tpu.vector_load %arg7[%get3A_197, %get3A_198] {strides = array<i32>} : memref<80x128xf32, #tpu.memory_space<vmem>>, vector<1x16xf32>,
      %get3A_200 = vector.shape_cast %get3A_199 : vector<1x16xf32> to vector<16xf32>
      %add3A_201 = arith.constant 1 : i32
      %add3A_202 = arith.addi %mul3A_109, %add3A_201 : i32
      %get3A_203 = arith.index_cast %add3A_202 : i32 to index
      %get3A_204 = arith.constant 0 : index
      %get3A_205 = tpu.vector_load %arg8[%get3A_203, %get3A_204] {strides = array<i32>} : memref<640x128xf32, #tpu.memory_space<vmem>>, vector<1x16xf32>,
      %get3A_206 = vector.shape_cast %get3A_205 : vector<1x16xf32> to vector<16xf32>
      %add3A_207 = arith.constant 1 : i32
      %add3A_208 = arith.addi %mul3A_109, %add3A_207 : i32
      %get3A_209 = arith.index_cast %add3A_208 : i32 to index
      %get3A_210 = arith.constant 64 : index
      %get3A_211 = tpu.vector_load %arg8[%get3A_209, %get3A_210] {strides = array<i32>} : memref<640x128xf32, #tpu.memory_space<vmem>>, vector<1x16xf32>,
      %get3A_212 = vector.shape_cast %get3A_211 : vector<1x16xf32> to vector<16xf32>
      %sub3A_213 = arith.subf %get3A_212, %get3A_206 : vector<16xf32>
      %mul3A_214 = arith.mulf %sub3A_213, %get3A_200 : vector<16xf32>
      %add3A_215 = arith.addf %get3A_206, %mul3A_214 : vector<16xf32>
      %add3A_216 = arith.addf %add3A_140, %add3A_215 : vector<16xf32>
      %add3A_217 = arith.constant 1 : i32
      %add3A_218 = arith.addi %mul3A_109, %add3A_217 : i32
      %get3A_219 = arith.index_cast %add3A_218 : i32 to index
      %get3A_220 = arith.constant 16 : index
      %get3A_221 = tpu.vector_load %arg8[%get3A_219, %get3A_220] {strides = array<i32>} : memref<640x128xf32, #tpu.memory_space<vmem>>, vector<1x16xf32>,
      %get3A_222 = vector.shape_cast %get3A_221 : vector<1x16xf32> to vector<16xf32>
      %add3A_223 = arith.constant 1 : i32
      %add3A_224 = arith.addi %mul3A_109, %add3A_223 : i32
      %get3A_225 = arith.index_cast %add3A_224 : i32 to index
      %get3A_226 = arith.constant 80 : index
      %get3A_227 = tpu.vector_load %arg8[%get3A_225, %get3A_226] {strides = array<i32>} : memref<640x128xf32, #tpu.memory_space<vmem>>, vector<1x16xf32>,
      %get3A_228 = vector.shape_cast %get3A_227 : vector<1x16xf32> to vector<16xf32>
      %sub3A_229 = arith.subf %get3A_228, %get3A_222 : vector<16xf32>
      %mul3A_230 = arith.mulf %sub3A_229, %get3A_200 : vector<16xf32>
      %add3A_231 = arith.addf %get3A_222, %mul3A_230 : vector<16xf32>
      %add3A_232 = arith.addf %add3A_156, %add3A_231 : vector<16xf32>
      %add3A_233 = arith.constant 1 : i32
      %add3A_234 = arith.addi %mul3A_109, %add3A_233 : i32
      %get3A_235 = arith.index_cast %add3A_234 : i32 to index
      %get3A_236 = arith.constant 32 : index
      %get3A_237 = tpu.vector_load %arg8[%get3A_235, %get3A_236] {strides = array<i32>} : memref<640x128xf32, #tpu.memory_space<vmem>>, vector<1x16xf32>,
      %get3A_238 = vector.shape_cast %get3A_237 : vector<1x16xf32> to vector<16xf32>
      %add3A_239 = arith.constant 1 : i32
      %add3A_240 = arith.addi %mul3A_109, %add3A_239 : i32
      %get3A_241 = arith.index_cast %add3A_240 : i32 to index
      %get3A_242 = arith.constant 96 : index
      %get3A_243 = tpu.vector_load %arg8[%get3A_241, %get3A_242] {strides = array<i32>} : memref<640x128xf32, #tpu.memory_space<vmem>>, vector<1x16xf32>,
      %get3A_244 = vector.shape_cast %get3A_243 : vector<1x16xf32> to vector<16xf32>
      %sub3A_245 = arith.subf %get3A_244, %get3A_238 : vector<16xf32>
      %mul3A_246 = arith.mulf %sub3A_245, %get3A_200 : vector<16xf32>
      %add3A_247 = arith.addf %get3A_238, %mul3A_246 : vector<16xf32>
      %add3A_248 = arith.addf %add3A_172, %add3A_247 : vector<16xf32>
      %add3A_249 = arith.constant 1 : i32
      %add3A_250 = arith.addi %mul3A_109, %add3A_249 : i32
      %get3A_251 = arith.index_cast %add3A_250 : i32 to index
      %get3A_252 = arith.constant 48 : index
      %get3A_253 = tpu.vector_load %arg8[%get3A_251, %get3A_252] {strides = array<i32>} : memref<640x128xf32, #tpu.memory_space<vmem>>, vector<1x16xf32>,
      %get3A_254 = vector.shape_cast %get3A_253 : vector<1x16xf32> to vector<16xf32>
      %add3A_255 = arith.constant 1 : i32
      %add3A_256 = arith.addi %mul3A_109, %add3A_255 : i32
      %get3A_257 = arith.index_cast %add3A_256 : i32 to index
      %get3A_258 = arith.constant 112 : index
      %get3A_259 = tpu.vector_load %arg8[%get3A_257, %get3A_258] {strides = array<i32>} : memref<640x128xf32, #tpu.memory_space<vmem>>, vector<1x16xf32>,
      %get3A_260 = vector.shape_cast %get3A_259 : vector<1x16xf32> to vector<16xf32>
      %sub3A_261 = arith.subf %get3A_260, %get3A_254 : vector<16xf32>
      %mul3A_262 = arith.mulf %sub3A_261, %get3A_200 : vector<16xf32>
      %add3A_263 = arith.addf %get3A_254, %mul3A_262 : vector<16xf32>
      %add3A_264 = arith.addf %add3A_188, %add3A_263 : vector<16xf32>
      %add3A_265 = arith.constant 2 : i32
      %add3A_266 = arith.addi %mul3A_109, %add3A_265 : i32
      %mul3A_267 = arith.constant 16 : i32
      %mul3A_268 = arith.muli %add3A_266, %mul3A_267 : i32
      %shift_right_arithmetic3A_269 = arith.constant 7 : i32
      %shift_right_arithmetic3A_270 = arith.shrsi %mul3A_268, %shift_right_arithmetic3A_269 : i32
      %and3A_271 = arith.constant 127 : i32
      %and3A_272 = arith.andi %mul3A_268, %and3A_271 : i32
      %get3A_273 = arith.index_cast %shift_right_arithmetic3A_270 : i32 to index
      %get3A_274 = arith.index_cast %and3A_272 : i32 to index
      %get3A_275 = tpu.vector_load %arg7[%get3A_273, %get3A_274] {strides = array<i32>} : memref<80x128xf32, #tpu.memory_space<vmem>>, vector<1x16xf32>,
      %get3A_276 = vector.shape_cast %get3A_275 : vector<1x16xf32> to vector<16xf32>
      %add3A_277 = arith.constant 2 : i32
      %add3A_278 = arith.addi %mul3A_109, %add3A_277 : i32
      %get3A_279 = arith.index_cast %add3A_278 : i32 to index
      %get3A_280 = arith.constant 0 : index
      %get3A_281 = tpu.vector_load %arg8[%get3A_279, %get3A_280] {strides = array<i32>} : memref<640x128xf32, #tpu.memory_space<vmem>>, vector<1x16xf32>,
      %get3A_282 = vector.shape_cast %get3A_281 : vector<1x16xf32> to vector<16xf32>
      %add3A_283 = arith.constant 2 : i32
      %add3A_284 = arith.addi %mul3A_109, %add3A_283 : i32
      %get3A_285 = arith.index_cast %add3A_284 : i32 to index
      %get3A_286 = arith.constant 64 : index
      %get3A_287 = tpu.vector_load %arg8[%get3A_285, %get3A_286] {strides = array<i32>} : memref<640x128xf32, #tpu.memory_space<vmem>>, vector<1x16xf32>,
      %get3A_288 = vector.shape_cast %get3A_287 : vector<1x16xf32> to vector<16xf32>
      %sub3A_289 = arith.subf %get3A_288, %get3A_282 : vector<16xf32>
      %mul3A_290 = arith.mulf %sub3A_289, %get3A_276 : vector<16xf32>
      %add3A_291 = arith.addf %get3A_282, %mul3A_290 : vector<16xf32>
      %add3A_292 = arith.addf %add3A_216, %add3A_291 : vector<16xf32>
      %add3A_293 = arith.constant 2 : i32
      %add3A_294 = arith.addi %mul3A_109, %add3A_293 : i32
      %get3A_295 = arith.index_cast %add3A_294 : i32 to index
      %get3A_296 = arith.constant 16 : index
      %get3A_297 = tpu.vector_load %arg8[%get3A_295, %get3A_296] {strides = array<i32>} : memref<640x128xf32, #tpu.memory_space<vmem>>, vector<1x16xf32>,
      %get3A_298 = vector.shape_cast %get3A_297 : vector<1x16xf32> to vector<16xf32>
      %add3A_299 = arith.constant 2 : i32
      %add3A_300 = arith.addi %mul3A_109, %add3A_299 : i32
      %get3A_301 = arith.index_cast %add3A_300 : i32 to index
      %get3A_302 = arith.constant 80 : index
      %get3A_303 = tpu.vector_load %arg8[%get3A_301, %get3A_302] {strides = array<i32>} : memref<640x128xf32, #tpu.memory_space<vmem>>, vector<1x16xf32>,
      %get3A_304 = vector.shape_cast %get3A_303 : vector<1x16xf32> to vector<16xf32>
      %sub3A_305 = arith.subf %get3A_304, %get3A_298 : vector<16xf32>
      %mul3A_306 = arith.mulf %sub3A_305, %get3A_276 : vector<16xf32>
      %add3A_307 = arith.addf %get3A_298, %mul3A_306 : vector<16xf32>
      %add3A_308 = arith.addf %add3A_232, %add3A_307 : vector<16xf32>
      %add3A_309 = arith.constant 2 : i32
      %add3A_310 = arith.addi %mul3A_109, %add3A_309 : i32
      %get3A_311 = arith.index_cast %add3A_310 : i32 to index
      %get3A_312 = arith.constant 32 : index
      %get3A_313 = tpu.vector_load %arg8[%get3A_311, %get3A_312] {strides = array<i32>} : memref<640x128xf32, #tpu.memory_space<vmem>>, vector<1x16xf32>,
      %get3A_314 = vector.shape_cast %get3A_313 : vector<1x16xf32> to vector<16xf32>
      %add3A_315 = arith.constant 2 : i32
      %add3A_316 = arith.addi %mul3A_109, %add3A_315 : i32
      %get3A_317 = arith.index_cast %add3A_316 : i32 to index
      %get3A_318 = arith.constant 96 : index
      %get3A_319 = tpu.vector_load %arg8[%get3A_317, %get3A_318] {strides = array<i32>} : memref<640x128xf32, #tpu.memory_space<vmem>>, vector<1x16xf32>,
      %get3A_320 = vector.shape_cast %get3A_319 : vector<1x16xf32> to vector<16xf32>
      %sub3A_321 = arith.subf %get3A_320, %get3A_314 : vector<16xf32>
      %mul3A_322 = arith.mulf %sub3A_321, %get3A_276 : vector<16xf32>
      %add3A_323 = arith.addf %get3A_314, %mul3A_322 : vector<16xf32>
      %add3A_324 = arith.addf %add3A_248, %add3A_323 : vector<16xf32>
      %add3A_325 = arith.constant 2 : i32
      %add3A_326 = arith.addi %mul3A_109, %add3A_325 : i32
      %get3A_327 = arith.index_cast %add3A_326 : i32 to index
      %get3A_328 = arith.constant 48 : index
      %get3A_329 = tpu.vector_load %arg8[%get3A_327, %get3A_328] {strides = array<i32>} : memref<640x128xf32, #tpu.memory_space<vmem>>, vector<1x16xf32>,
      %get3A_330 = vector.shape_cast %get3A_329 : vector<1x16xf32> to vector<16xf32>
      %add3A_331 = arith.constant 2 : i32
      %add3A_332 = arith.addi %mul3A_109, %add3A_331 : i32
      %get3A_333 = arith.index_cast %add3A_332 : i32 to index
      %get3A_334 = arith.constant 112 : index
      %get3A_335 = tpu.vector_load %arg8[%get3A_333, %get3A_334] {strides = array<i32>} : memref<640x128xf32, #tpu.memory_space<vmem>>, vector<1x16xf32>,
      %get3A_336 = vector.shape_cast %get3A_335 : vector<1x16xf32> to vector<16xf32>
      %sub3A_337 = arith.subf %get3A_336, %get3A_330 : vector<16xf32>
      %mul3A_338 = arith.mulf %sub3A_337, %get3A_276 : vector<16xf32>
      %add3A_339 = arith.addf %get3A_330, %mul3A_338 : vector<16xf32>
      %add3A_340 = arith.addf %add3A_264, %add3A_339 : vector<16xf32>
      %add3A_341 = arith.constant 3 : i32
      %add3A_342 = arith.addi %mul3A_109, %add3A_341 : i32
      %mul3A_343 = arith.constant 16 : i32
      %mul3A_344 = arith.muli %add3A_342, %mul3A_343 : i32
      %shift_right_arithmetic3A_345 = arith.constant 7 : i32
      %shift_right_arithmetic3A_346 = arith.shrsi %mul3A_344, %shift_right_arithmetic3A_345 : i32
      %and3A_347 = arith.constant 127 : i32
      %and3A_348 = arith.andi %mul3A_344, %and3A_347 : i32
      %get3A_349 = arith.index_cast %shift_right_arithmetic3A_346 : i32 to index
      %get3A_350 = arith.index_cast %and3A_348 : i32 to index
      %get3A_351 = tpu.vector_load %arg7[%get3A_349, %get3A_350] {strides = array<i32>} : memref<80x128xf32, #tpu.memory_space<vmem>>, vector<1x16xf32>,
      %get3A_352 = vector.shape_cast %get3A_351 : vector<1x16xf32> to vector<16xf32>
      %add3A_353 = arith.constant 3 : i32
      %add3A_354 = arith.addi %mul3A_109, %add3A_353 : i32
      %get3A_355 = arith.index_cast %add3A_354 : i32 to index
      %get3A_356 = arith.constant 0 : index
      %get3A_357 = tpu.vector_load %arg8[%get3A_355, %get3A_356] {strides = array<i32>} : memref<640x128xf32, #tpu.memory_space<vmem>>, vector<1x16xf32>,
      %get3A_358 = vector.shape_cast %get3A_357 : vector<1x16xf32> to vector<16xf32>
      %add3A_359 = arith.constant 3 : i32
      %add3A_360 = arith.addi %mul3A_109, %add3A_359 : i32
      %get3A_361 = arith.index_cast %add3A_360 : i32 to index
      %get3A_362 = arith.constant 64 : index
      %get3A_363 = tpu.vector_load %arg8[%get3A_361, %get3A_362] {strides = array<i32>} : memref<640x128xf32, #tpu.memory_space<vmem>>, vector<1x16xf32>,
      %get3A_364 = vector.shape_cast %get3A_363 : vector<1x16xf32> to vector<16xf32>
      %sub3A_365 = arith.subf %get3A_364, %get3A_358 : vector<16xf32>
      %mul3A_366 = arith.mulf %sub3A_365, %get3A_352 : vector<16xf32>
      %add3A_367 = arith.addf %get3A_358, %mul3A_366 : vector<16xf32>
      %add3A_368 = arith.addf %add3A_292, %add3A_367 : vector<16xf32>
      %add3A_369 = arith.constant 3 : i32
      %add3A_370 = arith.addi %mul3A_109, %add3A_369 : i32
      %get3A_371 = arith.index_cast %add3A_370 : i32 to index
      %get3A_372 = arith.constant 16 : index
      %get3A_373 = tpu.vector_load %arg8[%get3A_371, %get3A_372] {strides = array<i32>} : memref<640x128xf32, #tpu.memory_space<vmem>>, vector<1x16xf32>,
      %get3A_374 = vector.shape_cast %get3A_373 : vector<1x16xf32> to vector<16xf32>
      %add3A_375 = arith.constant 3 : i32
      %add3A_376 = arith.addi %mul3A_109, %add3A_375 : i32
      %get3A_377 = arith.index_cast %add3A_376 : i32 to index
      %get3A_378 = arith.constant 80 : index
      %get3A_379 = tpu.vector_load %arg8[%get3A_377, %get3A_378] {strides = array<i32>} : memref<640x128xf32, #tpu.memory_space<vmem>>, vector<1x16xf32>,
      %get3A_380 = vector.shape_cast %get3A_379 : vector<1x16xf32> to vector<16xf32>
      %sub3A_381 = arith.subf %get3A_380, %get3A_374 : vector<16xf32>
      %mul3A_382 = arith.mulf %sub3A_381, %get3A_352 : vector<16xf32>
      %add3A_383 = arith.addf %get3A_374, %mul3A_382 : vector<16xf32>
      %add3A_384 = arith.addf %add3A_308, %add3A_383 : vector<16xf32>
      %add3A_385 = arith.constant 3 : i32
      %add3A_386 = arith.addi %mul3A_109, %add3A_385 : i32
      %get3A_387 = arith.index_cast %add3A_386 : i32 to index
      %get3A_388 = arith.constant 32 : index
      %get3A_389 = tpu.vector_load %arg8[%get3A_387, %get3A_388] {strides = array<i32>} : memref<640x128xf32, #tpu.memory_space<vmem>>, vector<1x16xf32>,
      %get3A_390 = vector.shape_cast %get3A_389 : vector<1x16xf32> to vector<16xf32>
      %add3A_391 = arith.constant 3 : i32
      %add3A_392 = arith.addi %mul3A_109, %add3A_391 : i32
      %get3A_393 = arith.index_cast %add3A_392 : i32 to index
      %get3A_394 = arith.constant 96 : index
      %get3A_395 = tpu.vector_load %arg8[%get3A_393, %get3A_394] {strides = array<i32>} : memref<640x128xf32, #tpu.memory_space<vmem>>, vector<1x16xf32>,
      %get3A_396 = vector.shape_cast %get3A_395 : vector<1x16xf32> to vector<16xf32>
      %sub3A_397 = arith.subf %get3A_396, %get3A_390 : vector<16xf32>
      %mul3A_398 = arith.mulf %sub3A_397, %get3A_352 : vector<16xf32>
      %add3A_399 = arith.addf %get3A_390, %mul3A_398 : vector<16xf32>
      %add3A_400 = arith.addf %add3A_324, %add3A_399 : vector<16xf32>
      %add3A_401 = arith.constant 3 : i32
      %add3A_402 = arith.addi %mul3A_109, %add3A_401 : i32
      %get3A_403 = arith.index_cast %add3A_402 : i32 to index
      %get3A_404 = arith.constant 48 : index
      %get3A_405 = tpu.vector_load %arg8[%get3A_403, %get3A_404] {strides = array<i32>} : memref<640x128xf32, #tpu.memory_space<vmem>>, vector<1x16xf32>,
      %get3A_406 = vector.shape_cast %get3A_405 : vector<1x16xf32> to vector<16xf32>
      %add3A_407 = arith.constant 3 : i32
      %add3A_408 = arith.addi %mul3A_109, %add3A_407 : i32
      %get3A_409 = arith.index_cast %add3A_408 : i32 to index
      %get3A_410 = arith.constant 112 : index
      %get3A_411 = tpu.vector_load %arg8[%get3A_409, %get3A_410] {strides = array<i32>} : memref<640x128xf32, #tpu.memory_space<vmem>>, vector<1x16xf32>,
      %get3A_412 = vector.shape_cast %get3A_411 : vector<1x16xf32> to vector<16xf32>
      %sub3A_413 = arith.subf %get3A_412, %get3A_406 : vector<16xf32>
      %mul3A_414 = arith.mulf %sub3A_413, %get3A_352 : vector<16xf32>
      %add3A_415 = arith.addf %get3A_406, %mul3A_414 : vector<16xf32>
      %add3A_416 = arith.addf %add3A_340, %add3A_415 : vector<16xf32>
      %add3A_417 = arith.constant 4 : i32
      %add3A_418 = arith.addi %mul3A_109, %add3A_417 : i32
      %mul3A_419 = arith.constant 16 : i32
      %mul3A_420 = arith.muli %add3A_418, %mul3A_419 : i32
      %shift_right_arithmetic3A_421 = arith.constant 7 : i32
      %shift_right_arithmetic3A_422 = arith.shrsi %mul3A_420, %shift_right_arithmetic3A_421 : i32
      %and3A_423 = arith.constant 127 : i32
      %and3A_424 = arith.andi %mul3A_420, %and3A_423 : i32
      %get3A_425 = arith.index_cast %shift_right_arithmetic3A_422 : i32 to index
      %get3A_426 = arith.index_cast %and3A_424 : i32 to index
      %get3A_427 = tpu.vector_load %arg7[%get3A_425, %get3A_426] {strides = array<i32>} : memref<80x128xf32, #tpu.memory_space<vmem>>, vector<1x16xf32>,
      %get3A_428 = vector.shape_cast %get3A_427 : vector<1x16xf32> to vector<16xf32>
      %add3A_429 = arith.constant 4 : i32
      %add3A_430 = arith.addi %mul3A_109, %add3A_429 : i32
      %get3A_431 = arith.index_cast %add3A_430 : i32 to index
      %get3A_432 = arith.constant 0 : index
      %get3A_433 = tpu.vector_load %arg8[%get3A_431, %get3A_432] {strides = array<i32>} : memref<640x128xf32, #tpu.memory_space<vmem>>, vector<1x16xf32>,
      %get3A_434 = vector.shape_cast %get3A_433 : vector<1x16xf32> to vector<16xf32>
      %add3A_435 = arith.constant 4 : i32
      %add3A_436 = arith.addi %mul3A_109, %add3A_435 : i32
      %get3A_437 = arith.index_cast %add3A_436 : i32 to index
      %get3A_438 = arith.constant 64 : index
      %get3A_439 = tpu.vector_load %arg8[%get3A_437, %get3A_438] {strides = array<i32>} : memref<640x128xf32, #tpu.memory_space<vmem>>, vector<1x16xf32>,
      %get3A_440 = vector.shape_cast %get3A_439 : vector<1x16xf32> to vector<16xf32>
      %sub3A_441 = arith.subf %get3A_440, %get3A_434 : vector<16xf32>
      %mul3A_442 = arith.mulf %sub3A_441, %get3A_428 : vector<16xf32>
      %add3A_443 = arith.addf %get3A_434, %mul3A_442 : vector<16xf32>
      %add3A_444 = arith.addf %add3A_368, %add3A_443 : vector<16xf32>
      %add3A_445 = arith.constant 4 : i32
      %add3A_446 = arith.addi %mul3A_109, %add3A_445 : i32
      %get3A_447 = arith.index_cast %add3A_446 : i32 to index
      %get3A_448 = arith.constant 16 : index
      %get3A_449 = tpu.vector_load %arg8[%get3A_447, %get3A_448] {strides = array<i32>} : memref<640x128xf32, #tpu.memory_space<vmem>>, vector<1x16xf32>,
      %get3A_450 = vector.shape_cast %get3A_449 : vector<1x16xf32> to vector<16xf32>
      %add3A_451 = arith.constant 4 : i32
      %add3A_452 = arith.addi %mul3A_109, %add3A_451 : i32
      %get3A_453 = arith.index_cast %add3A_452 : i32 to index
      %get3A_454 = arith.constant 80 : index
      %get3A_455 = tpu.vector_load %arg8[%get3A_453, %get3A_454] {strides = array<i32>} : memref<640x128xf32, #tpu.memory_space<vmem>>, vector<1x16xf32>,
      %get3A_456 = vector.shape_cast %get3A_455 : vector<1x16xf32> to vector<16xf32>
      %sub3A_457 = arith.subf %get3A_456, %get3A_450 : vector<16xf32>
      %mul3A_458 = arith.mulf %sub3A_457, %get3A_428 : vector<16xf32>
      %add3A_459 = arith.addf %get3A_450, %mul3A_458 : vector<16xf32>
      %add3A_460 = arith.addf %add3A_384, %add3A_459 : vector<16xf32>
      %add3A_461 = arith.constant 4 : i32
      %add3A_462 = arith.addi %mul3A_109, %add3A_461 : i32
      %get3A_463 = arith.index_cast %add3A_462 : i32 to index
      %get3A_464 = arith.constant 32 : index
      %get3A_465 = tpu.vector_load %arg8[%get3A_463, %get3A_464] {strides = array<i32>} : memref<640x128xf32, #tpu.memory_space<vmem>>, vector<1x16xf32>,
      %get3A_466 = vector.shape_cast %get3A_465 : vector<1x16xf32> to vector<16xf32>
      %add3A_467 = arith.constant 4 : i32
      %add3A_468 = arith.addi %mul3A_109, %add3A_467 : i32
      %get3A_469 = arith.index_cast %add3A_468 : i32 to index
      %get3A_470 = arith.constant 96 : index
      %get3A_471 = tpu.vector_load %arg8[%get3A_469, %get3A_470] {strides = array<i32>} : memref<640x128xf32, #tpu.memory_space<vmem>>, vector<1x16xf32>,
      %get3A_472 = vector.shape_cast %get3A_471 : vector<1x16xf32> to vector<16xf32>
      %sub3A_473 = arith.subf %get3A_472, %get3A_466 : vector<16xf32>
      %mul3A_474 = arith.mulf %sub3A_473, %get3A_428 : vector<16xf32>
      %add3A_475 = arith.addf %get3A_466, %mul3A_474 : vector<16xf32>
      %add3A_476 = arith.addf %add3A_400, %add3A_475 : vector<16xf32>
      %add3A_477 = arith.constant 4 : i32
      %add3A_478 = arith.addi %mul3A_109, %add3A_477 : i32
      %get3A_479 = arith.index_cast %add3A_478 : i32 to index
      %get3A_480 = arith.constant 48 : index
      %get3A_481 = tpu.vector_load %arg8[%get3A_479, %get3A_480] {strides = array<i32>} : memref<640x128xf32, #tpu.memory_space<vmem>>, vector<1x16xf32>,
      %get3A_482 = vector.shape_cast %get3A_481 : vector<1x16xf32> to vector<16xf32>
      %add3A_483 = arith.constant 4 : i32
      %add3A_484 = arith.addi %mul3A_109, %add3A_483 : i32
      %get3A_485 = arith.index_cast %add3A_484 : i32 to index
      %get3A_486 = arith.constant 112 : index
      %get3A_487 = tpu.vector_load %arg8[%get3A_485, %get3A_486] {strides = array<i32>} : memref<640x128xf32, #tpu.memory_space<vmem>>, vector<1x16xf32>,
      %get3A_488 = vector.shape_cast %get3A_487 : vector<1x16xf32> to vector<16xf32>
      %sub3A_489 = arith.subf %get3A_488, %get3A_482 : vector<16xf32>
      %mul3A_490 = arith.mulf %sub3A_489, %get3A_428 : vector<16xf32>
      %add3A_491 = arith.addf %get3A_482, %mul3A_490 : vector<16xf32>
      %add3A_492 = arith.addf %add3A_416, %add3A_491 : vector<16xf32>
      %add3A_493 = arith.constant 5 : i32
      %add3A_494 = arith.addi %mul3A_109, %add3A_493 : i32
      %mul3A_495 = arith.constant 16 : i32
      %mul3A_496 = arith.muli %add3A_494, %mul3A_495 : i32
      %shift_right_arithmetic3A_497 = arith.constant 7 : i32
      %shift_right_arithmetic3A_498 = arith.shrsi %mul3A_496, %shift_right_arithmetic3A_497 : i32
      %and3A_499 = arith.constant 127 : i32
      %and3A_500 = arith.andi %mul3A_496, %and3A_499 : i32
      %get3A_501 = arith.index_cast %shift_right_arithmetic3A_498 : i32 to index
      %get3A_502 = arith.index_cast %and3A_500 : i32 to index
      %get3A_503 = tpu.vector_load %arg7[%get3A_501, %get3A_502] {strides = array<i32>} : memref<80x128xf32, #tpu.memory_space<vmem>>, vector<1x16xf32>,
      %get3A_504 = vector.shape_cast %get3A_503 : vector<1x16xf32> to vector<16xf32>
      %add3A_505 = arith.constant 5 : i32
      %add3A_506 = arith.addi %mul3A_109, %add3A_505 : i32
      %get3A_507 = arith.index_cast %add3A_506 : i32 to index
      %get3A_508 = arith.constant 0 : index
      %get3A_509 = tpu.vector_load %arg8[%get3A_507, %get3A_508] {strides = array<i32>} : memref<640x128xf32, #tpu.memory_space<vmem>>, vector<1x16xf32>,
      %get3A_510 = vector.shape_cast %get3A_509 : vector<1x16xf32> to vector<16xf32>
      %add3A_511 = arith.constant 5 : i32
      %add3A_512 = arith.addi %mul3A_109, %add3A_511 : i32
      %get3A_513 = arith.index_cast %add3A_512 : i32 to index
      %get3A_514 = arith.constant 64 : index
      %get3A_515 = tpu.vector_load %arg8[%get3A_513, %get3A_514] {strides = array<i32>} : memref<640x128xf32, #tpu.memory_space<vmem>>, vector<1x16xf32>,
      %get3A_516 = vector.shape_cast %get3A_515 : vector<1x16xf32> to vector<16xf32>
      %sub3A_517 = arith.subf %get3A_516, %get3A_510 : vector<16xf32>
      %mul3A_518 = arith.mulf %sub3A_517, %get3A_504 : vector<16xf32>
      %add3A_519 = arith.addf %get3A_510, %mul3A_518 : vector<16xf32>
      %add3A_520 = arith.addf %add3A_444, %add3A_519 : vector<16xf32>
      %add3A_521 = arith.constant 5 : i32
      %add3A_522 = arith.addi %mul3A_109, %add3A_521 : i32
      %get3A_523 = arith.index_cast %add3A_522 : i32 to index
      %get3A_524 = arith.constant 16 : index
      %get3A_525 = tpu.vector_load %arg8[%get3A_523, %get3A_524] {strides = array<i32>} : memref<640x128xf32, #tpu.memory_space<vmem>>, vector<1x16xf32>,
      %get3A_526 = vector.shape_cast %get3A_525 : vector<1x16xf32> to vector<16xf32>
      %add3A_527 = arith.constant 5 : i32
      %add3A_528 = arith.addi %mul3A_109, %add3A_527 : i32
      %get3A_529 = arith.index_cast %add3A_528 : i32 to index
      %get3A_530 = arith.constant 80 : index
      %get3A_531 = tpu.vector_load %arg8[%get3A_529, %get3A_530] {strides = array<i32>} : memref<640x128xf32, #tpu.memory_space<vmem>>, vector<1x16xf32>,
      %get3A_532 = vector.shape_cast %get3A_531 : vector<1x16xf32> to vector<16xf32>
      %sub3A_533 = arith.subf %get3A_532, %get3A_526 : vector<16xf32>
      %mul3A_534 = arith.mulf %sub3A_533, %get3A_504 : vector<16xf32>
      %add3A_535 = arith.addf %get3A_526, %mul3A_534 : vector<16xf32>
      %add3A_536 = arith.addf %add3A_460, %add3A_535 : vector<16xf32>
      %add3A_537 = arith.constant 5 : i32
      %add3A_538 = arith.addi %mul3A_109, %add3A_537 : i32
      %get3A_539 = arith.index_cast %add3A_538 : i32 to index
      %get3A_540 = arith.constant 32 : index
      %get3A_541 = tpu.vector_load %arg8[%get3A_539, %get3A_540] {strides = array<i32>} : memref<640x128xf32, #tpu.memory_space<vmem>>, vector<1x16xf32>,
      %get3A_542 = vector.shape_cast %get3A_541 : vector<1x16xf32> to vector<16xf32>
      %add3A_543 = arith.constant 5 : i32
      %add3A_544 = arith.addi %mul3A_109, %add3A_543 : i32
      %get3A_545 = arith.index_cast %add3A_544 : i32 to index
      %get3A_546 = arith.constant 96 : index
      %get3A_547 = tpu.vector_load %arg8[%get3A_545, %get3A_546] {strides = array<i32>} : memref<640x128xf32, #tpu.memory_space<vmem>>, vector<1x16xf32>,
      %get3A_548 = vector.shape_cast %get3A_547 : vector<1x16xf32> to vector<16xf32>
      %sub3A_549 = arith.subf %get3A_548, %get3A_542 : vector<16xf32>
      %mul3A_550 = arith.mulf %sub3A_549, %get3A_504 : vector<16xf32>
      %add3A_551 = arith.addf %get3A_542, %mul3A_550 : vector<16xf32>
      %add3A_552 = arith.addf %add3A_476, %add3A_551 : vector<16xf32>
      %add3A_553 = arith.constant 5 : i32
      %add3A_554 = arith.addi %mul3A_109, %add3A_553 : i32
      %get3A_555 = arith.index_cast %add3A_554 : i32 to index
      %get3A_556 = arith.constant 48 : index
      %get3A_557 = tpu.vector_load %arg8[%get3A_555, %get3A_556] {strides = array<i32>} : memref<640x128xf32, #tpu.memory_space<vmem>>, vector<1x16xf32>,
      %get3A_558 = vector.shape_cast %get3A_557 : vector<1x16xf32> to vector<16xf32>
      %add3A_559 = arith.constant 5 : i32
      %add3A_560 = arith.addi %mul3A_109, %add3A_559 : i32
      %get3A_561 = arith.index_cast %add3A_560 : i32 to index
      %get3A_562 = arith.constant 112 : index
      %get3A_563 = tpu.vector_load %arg8[%get3A_561, %get3A_562] {strides = array<i32>} : memref<640x128xf32, #tpu.memory_space<vmem>>, vector<1x16xf32>,
      %get3A_564 = vector.shape_cast %get3A_563 : vector<1x16xf32> to vector<16xf32>
      %sub3A_565 = arith.subf %get3A_564, %get3A_558 : vector<16xf32>
      %mul3A_566 = arith.mulf %sub3A_565, %get3A_504 : vector<16xf32>
      %add3A_567 = arith.addf %get3A_558, %mul3A_566 : vector<16xf32>
      %add3A_568 = arith.addf %add3A_492, %add3A_567 : vector<16xf32>
      %add3A_569 = arith.constant 6 : i32
      %add3A_570 = arith.addi %mul3A_109, %add3A_569 : i32
      %mul3A_571 = arith.constant 16 : i32
      %mul3A_572 = arith.muli %add3A_570, %mul3A_571 : i32
      %shift_right_arithmetic3A_573 = arith.constant 7 : i32
      %shift_right_arithmetic3A_574 = arith.shrsi %mul3A_572, %shift_right_arithmetic3A_573 : i32
      %and3A_575 = arith.constant 127 : i32
      %and3A_576 = arith.andi %mul3A_572, %and3A_575 : i32
      %get3A_577 = arith.index_cast %shift_right_arithmetic3A_574 : i32 to index
      %get3A_578 = arith.index_cast %and3A_576 : i32 to index
      %get3A_579 = tpu.vector_load %arg7[%get3A_577, %get3A_578] {strides = array<i32>} : memref<80x128xf32, #tpu.memory_space<vmem>>, vector<1x16xf32>,
      %get3A_580 = vector.shape_cast %get3A_579 : vector<1x16xf32> to vector<16xf32>
      %add3A_581 = arith.constant 6 : i32
      %add3A_582 = arith.addi %mul3A_109, %add3A_581 : i32
      %get3A_583 = arith.index_cast %add3A_582 : i32 to index
      %get3A_584 = arith.constant 0 : index
      %get3A_585 = tpu.vector_load %arg8[%get3A_583, %get3A_584] {strides = array<i32>} : memref<640x128xf32, #tpu.memory_space<vmem>>, vector<1x16xf32>,
      %get3A_586 = vector.shape_cast %get3A_585 : vector<1x16xf32> to vector<16xf32>
      %add3A_587 = arith.constant 6 : i32
      %add3A_588 = arith.addi %mul3A_109, %add3A_587 : i32
      %get3A_589 = arith.index_cast %add3A_588 : i32 to index
      %get3A_590 = arith.constant 64 : index
      %get3A_591 = tpu.vector_load %arg8[%get3A_589, %get3A_590] {strides = array<i32>} : memref<640x128xf32, #tpu.memory_space<vmem>>, vector<1x16xf32>,
      %get3A_592 = vector.shape_cast %get3A_591 : vector<1x16xf32> to vector<16xf32>
      %sub3A_593 = arith.subf %get3A_592, %get3A_586 : vector<16xf32>
      %mul3A_594 = arith.mulf %sub3A_593, %get3A_580 : vector<16xf32>
      %add3A_595 = arith.addf %get3A_586, %mul3A_594 : vector<16xf32>
      %add3A_596 = arith.addf %add3A_520, %add3A_595 : vector<16xf32>
      %add3A_597 = arith.constant 6 : i32
      %add3A_598 = arith.addi %mul3A_109, %add3A_597 : i32
      %get3A_599 = arith.index_cast %add3A_598 : i32 to index
      %get3A_600 = arith.constant 16 : index
      %get3A_601 = tpu.vector_load %arg8[%get3A_599, %get3A_600] {strides = array<i32>} : memref<640x128xf32, #tpu.memory_space<vmem>>, vector<1x16xf32>,
      %get3A_602 = vector.shape_cast %get3A_601 : vector<1x16xf32> to vector<16xf32>
      %add3A_603 = arith.constant 6 : i32
      %add3A_604 = arith.addi %mul3A_109, %add3A_603 : i32
      %get3A_605 = arith.index_cast %add3A_604 : i32 to index
      %get3A_606 = arith.constant 80 : index
      %get3A_607 = tpu.vector_load %arg8[%get3A_605, %get3A_606] {strides = array<i32>} : memref<640x128xf32, #tpu.memory_space<vmem>>, vector<1x16xf32>,
      %get3A_608 = vector.shape_cast %get3A_607 : vector<1x16xf32> to vector<16xf32>
      %sub3A_609 = arith.subf %get3A_608, %get3A_602 : vector<16xf32>
      %mul3A_610 = arith.mulf %sub3A_609, %get3A_580 : vector<16xf32>
      %add3A_611 = arith.addf %get3A_602, %mul3A_610 : vector<16xf32>
      %add3A_612 = arith.addf %add3A_536, %add3A_611 : vector<16xf32>
      %add3A_613 = arith.constant 6 : i32
      %add3A_614 = arith.addi %mul3A_109, %add3A_613 : i32
      %get3A_615 = arith.index_cast %add3A_614 : i32 to index
      %get3A_616 = arith.constant 32 : index
      %get3A_617 = tpu.vector_load %arg8[%get3A_615, %get3A_616] {strides = array<i32>} : memref<640x128xf32, #tpu.memory_space<vmem>>, vector<1x16xf32>,
      %get3A_618 = vector.shape_cast %get3A_617 : vector<1x16xf32> to vector<16xf32>
      %add3A_619 = arith.constant 6 : i32
      %add3A_620 = arith.addi %mul3A_109, %add3A_619 : i32
      %get3A_621 = arith.index_cast %add3A_620 : i32 to index
      %get3A_622 = arith.constant 96 : index
      %get3A_623 = tpu.vector_load %arg8[%get3A_621, %get3A_622] {strides = array<i32>} : memref<640x128xf32, #tpu.memory_space<vmem>>, vector<1x16xf32>,
      %get3A_624 = vector.shape_cast %get3A_623 : vector<1x16xf32> to vector<16xf32>
      %sub3A_625 = arith.subf %get3A_624, %get3A_618 : vector<16xf32>
      %mul3A_626 = arith.mulf %sub3A_625, %get3A_580 : vector<16xf32>
      %add3A_627 = arith.addf %get3A_618, %mul3A_626 : vector<16xf32>
      %add3A_628 = arith.addf %add3A_552, %add3A_627 : vector<16xf32>
      %add3A_629 = arith.constant 6 : i32
      %add3A_630 = arith.addi %mul3A_109, %add3A_629 : i32
      %get3A_631 = arith.index_cast %add3A_630 : i32 to index
      %get3A_632 = arith.constant 48 : index
      %get3A_633 = tpu.vector_load %arg8[%get3A_631, %get3A_632] {strides = array<i32>} : memref<640x128xf32, #tpu.memory_space<vmem>>, vector<1x16xf32>,
      %get3A_634 = vector.shape_cast %get3A_633 : vector<1x16xf32> to vector<16xf32>
      %add3A_635 = arith.constant 6 : i32
      %add3A_636 = arith.addi %mul3A_109, %add3A_635 : i32
      %get3A_637 = arith.index_cast %add3A_636 : i32 to index
      %get3A_638 = arith.constant 112 : index
      %get3A_639 = tpu.vector_load %arg8[%get3A_637, %get3A_638] {strides = array<i32>} : memref<640x128xf32, #tpu.memory_space<vmem>>, vector<1x16xf32>,
      %get3A_640 = vector.shape_cast %get3A_639 : vector<1x16xf32> to vector<16xf32>
      %sub3A_641 = arith.subf %get3A_640, %get3A_634 : vector<16xf32>
      %mul3A_642 = arith.mulf %sub3A_641, %get3A_580 : vector<16xf32>
      %add3A_643 = arith.addf %get3A_634, %mul3A_642 : vector<16xf32>
      %add3A_644 = arith.addf %add3A_568, %add3A_643 : vector<16xf32>
      %add3A_645 = arith.constant 7 : i32
      %add3A_646 = arith.addi %mul3A_109, %add3A_645 : i32
      %mul3A_647 = arith.constant 16 : i32
      %mul3A_648 = arith.muli %add3A_646, %mul3A_647 : i32
      %shift_right_arithmetic3A_649 = arith.constant 7 : i32
      %shift_right_arithmetic3A_650 = arith.shrsi %mul3A_648, %shift_right_arithmetic3A_649 : i32
      %and3A_651 = arith.constant 127 : i32
      %and3A_652 = arith.andi %mul3A_648, %and3A_651 : i32
      %get3A_653 = arith.index_cast %shift_right_arithmetic3A_650 : i32 to index
      %get3A_654 = arith.index_cast %and3A_652 : i32 to index
      %get3A_655 = tpu.vector_load %arg7[%get3A_653, %get3A_654] {strides = array<i32>} : memref<80x128xf32, #tpu.memory_space<vmem>>, vector<1x16xf32>,
      %get3A_656 = vector.shape_cast %get3A_655 : vector<1x16xf32> to vector<16xf32>
      %add3A_657 = arith.constant 7 : i32
      %add3A_658 = arith.addi %mul3A_109, %add3A_657 : i32
      %get3A_659 = arith.index_cast %add3A_658 : i32 to index
      %get3A_660 = arith.constant 0 : index
      %get3A_661 = tpu.vector_load %arg8[%get3A_659, %get3A_660] {strides = array<i32>} : memref<640x128xf32, #tpu.memory_space<vmem>>, vector<1x16xf32>,
      %get3A_662 = vector.shape_cast %get3A_661 : vector<1x16xf32> to vector<16xf32>
      %add3A_663 = arith.constant 7 : i32
      %add3A_664 = arith.addi %mul3A_109, %add3A_663 : i32
      %get3A_665 = arith.index_cast %add3A_664 : i32 to index
      %get3A_666 = arith.constant 64 : index
      %get3A_667 = tpu.vector_load %arg8[%get3A_665, %get3A_666] {strides = array<i32>} : memref<640x128xf32, #tpu.memory_space<vmem>>, vector<1x16xf32>,
      %get3A_668 = vector.shape_cast %get3A_667 : vector<1x16xf32> to vector<16xf32>
      %sub3A_669 = arith.subf %get3A_668, %get3A_662 : vector<16xf32>
      %mul3A_670 = arith.mulf %sub3A_669, %get3A_656 : vector<16xf32>
      %add3A_671 = arith.addf %get3A_662, %mul3A_670 : vector<16xf32>
      %add3A_672 = arith.addf %add3A_596, %add3A_671 : vector<16xf32>
      %add3A_673 = arith.constant 7 : i32
      %add3A_674 = arith.addi %mul3A_109, %add3A_673 : i32
      %get3A_675 = arith.index_cast %add3A_674 : i32 to index
      %get3A_676 = arith.constant 16 : index
      %get3A_677 = tpu.vector_load %arg8[%get3A_675, %get3A_676] {strides = array<i32>} : memref<640x128xf32, #tpu.memory_space<vmem>>, vector<1x16xf32>,
      %get3A_678 = vector.shape_cast %get3A_677 : vector<1x16xf32> to vector<16xf32>
      %add3A_679 = arith.constant 7 : i32
      %add3A_680 = arith.addi %mul3A_109, %add3A_679 : i32
      %get3A_681 = arith.index_cast %add3A_680 : i32 to index
      %get3A_682 = arith.constant 80 : index
      %get3A_683 = tpu.vector_load %arg8[%get3A_681, %get3A_682] {strides = array<i32>} : memref<640x128xf32, #tpu.memory_space<vmem>>, vector<1x16xf32>,
      %get3A_684 = vector.shape_cast %get3A_683 : vector<1x16xf32> to vector<16xf32>
      %sub3A_685 = arith.subf %get3A_684, %get3A_678 : vector<16xf32>
      %mul3A_686 = arith.mulf %sub3A_685, %get3A_656 : vector<16xf32>
      %add3A_687 = arith.addf %get3A_678, %mul3A_686 : vector<16xf32>
      %add3A_688 = arith.addf %add3A_612, %add3A_687 : vector<16xf32>
      %add3A_689 = arith.constant 7 : i32
      %add3A_690 = arith.addi %mul3A_109, %add3A_689 : i32
      %get3A_691 = arith.index_cast %add3A_690 : i32 to index
      %get3A_692 = arith.constant 32 : index
      %get3A_693 = tpu.vector_load %arg8[%get3A_691, %get3A_692] {strides = array<i32>} : memref<640x128xf32, #tpu.memory_space<vmem>>, vector<1x16xf32>,
      %get3A_694 = vector.shape_cast %get3A_693 : vector<1x16xf32> to vector<16xf32>
      %add3A_695 = arith.constant 7 : i32
      %add3A_696 = arith.addi %mul3A_109, %add3A_695 : i32
      %get3A_697 = arith.index_cast %add3A_696 : i32 to index
      %get3A_698 = arith.constant 96 : index
      %get3A_699 = tpu.vector_load %arg8[%get3A_697, %get3A_698] {strides = array<i32>} : memref<640x128xf32, #tpu.memory_space<vmem>>, vector<1x16xf32>,
      %get3A_700 = vector.shape_cast %get3A_699 : vector<1x16xf32> to vector<16xf32>
      %sub3A_701 = arith.subf %get3A_700, %get3A_694 : vector<16xf32>
      %mul3A_702 = arith.mulf %sub3A_701, %get3A_656 : vector<16xf32>
      %add3A_703 = arith.addf %get3A_694, %mul3A_702 : vector<16xf32>
      %add3A_704 = arith.addf %add3A_628, %add3A_703 : vector<16xf32>
      %add3A_705 = arith.constant 7 : i32
      %add3A_706 = arith.addi %mul3A_109, %add3A_705 : i32
      %get3A_707 = arith.index_cast %add3A_706 : i32 to index
      %get3A_708 = arith.constant 48 : index
      %get3A_709 = tpu.vector_load %arg8[%get3A_707, %get3A_708] {strides = array<i32>} : memref<640x128xf32, #tpu.memory_space<vmem>>, vector<1x16xf32>,
      %get3A_710 = vector.shape_cast %get3A_709 : vector<1x16xf32> to vector<16xf32>
      %add3A_711 = arith.constant 7 : i32
      %add3A_712 = arith.addi %mul3A_109, %add3A_711 : i32
      %get3A_713 = arith.index_cast %add3A_712 : i32 to index
      %get3A_714 = arith.constant 112 : index
      %get3A_715 = tpu.vector_load %arg8[%get3A_713, %get3A_714] {strides = array<i32>} : memref<640x128xf32, #tpu.memory_space<vmem>>, vector<1x16xf32>,
      %get3A_716 = vector.shape_cast %get3A_715 : vector<1x16xf32> to vector<16xf32>
      %sub3A_717 = arith.subf %get3A_716, %get3A_710 : vector<16xf32>
      %mul3A_718 = arith.mulf %sub3A_717, %get3A_656 : vector<16xf32>
      %add3A_719 = arith.addf %get3A_710, %mul3A_718 : vector<16xf32>
      %add3A_720 = arith.addf %add3A_644, %add3A_719 : vector<16xf32>
      %add3A_721 = arith.constant 8 : i32
      %add3A_722 = arith.addi %mul3A_109, %add3A_721 : i32
      %mul3A_723 = arith.constant 16 : i32
      %mul3A_724 = arith.muli %add3A_722, %mul3A_723 : i32
      %shift_right_arithmetic3A_725 = arith.constant 7 : i32
      %shift_right_arithmetic3A_726 = arith.shrsi %mul3A_724, %shift_right_arithmetic3A_725 : i32
      %and3A_727 = arith.constant 127 : i32
      %and3A_728 = arith.andi %mul3A_724, %and3A_727 : i32
      %get3A_729 = arith.index_cast %shift_right_arithmetic3A_726 : i32 to index
      %get3A_730 = arith.index_cast %and3A_728 : i32 to index
      %get3A_731 = tpu.vector_load %arg7[%get3A_729, %get3A_730] {strides = array<i32>} : memref<80x128xf32, #tpu.memory_space<vmem>>, vector<1x16xf32>,
      %get3A_732 = vector.shape_cast %get3A_731 : vector<1x16xf32> to vector<16xf32>
      %add3A_733 = arith.constant 8 : i32
      %add3A_734 = arith.addi %mul3A_109, %add3A_733 : i32
      %get3A_735 = arith.index_cast %add3A_734 : i32 to index
      %get3A_736 = arith.constant 0 : index
      %get3A_737 = tpu.vector_load %arg8[%get3A_735, %get3A_736] {strides = array<i32>} : memref<640x128xf32, #tpu.memory_space<vmem>>, vector<1x16xf32>,
      %get3A_738 = vector.shape_cast %get3A_737 : vector<1x16xf32> to vector<16xf32>
      %add3A_739 = arith.constant 8 : i32
      %add3A_740 = arith.addi %mul3A_109, %add3A_739 : i32
      %get3A_741 = arith.index_cast %add3A_740 : i32 to index
      %get3A_742 = arith.constant 64 : index
      %get3A_743 = tpu.vector_load %arg8[%get3A_741, %get3A_742] {strides = array<i32>} : memref<640x128xf32, #tpu.memory_space<vmem>>, vector<1x16xf32>,
      %get3A_744 = vector.shape_cast %get3A_743 : vector<1x16xf32> to vector<16xf32>
      %sub3A_745 = arith.subf %get3A_744, %get3A_738 : vector<16xf32>
      %mul3A_746 = arith.mulf %sub3A_745, %get3A_732 : vector<16xf32>
      %add3A_747 = arith.addf %get3A_738, %mul3A_746 : vector<16xf32>
      %add3A_748 = arith.addf %add3A_672, %add3A_747 : vector<16xf32>
      %add3A_749 = arith.constant 8 : i32
      %add3A_750 = arith.addi %mul3A_109, %add3A_749 : i32
      %get3A_751 = arith.index_cast %add3A_750 : i32 to index
      %get3A_752 = arith.constant 16 : index
      %get3A_753 = tpu.vector_load %arg8[%get3A_751, %get3A_752] {strides = array<i32>} : memref<640x128xf32, #tpu.memory_space<vmem>>, vector<1x16xf32>,
      %get3A_754 = vector.shape_cast %get3A_753 : vector<1x16xf32> to vector<16xf32>
      %add3A_755 = arith.constant 8 : i32
      %add3A_756 = arith.addi %mul3A_109, %add3A_755 : i32
      %get3A_757 = arith.index_cast %add3A_756 : i32 to index
      %get3A_758 = arith.constant 80 : index
      %get3A_759 = tpu.vector_load %arg8[%get3A_757, %get3A_758] {strides = array<i32>} : memref<640x128xf32, #tpu.memory_space<vmem>>, vector<1x16xf32>,
      %get3A_760 = vector.shape_cast %get3A_759 : vector<1x16xf32> to vector<16xf32>
      %sub3A_761 = arith.subf %get3A_760, %get3A_754 : vector<16xf32>
      %mul3A_762 = arith.mulf %sub3A_761, %get3A_732 : vector<16xf32>
      %add3A_763 = arith.addf %get3A_754, %mul3A_762 : vector<16xf32>
      %add3A_764 = arith.addf %add3A_688, %add3A_763 : vector<16xf32>
      %add3A_765 = arith.constant 8 : i32
      %add3A_766 = arith.addi %mul3A_109, %add3A_765 : i32
      %get3A_767 = arith.index_cast %add3A_766 : i32 to index
      %get3A_768 = arith.constant 32 : index
      %get3A_769 = tpu.vector_load %arg8[%get3A_767, %get3A_768] {strides = array<i32>} : memref<640x128xf32, #tpu.memory_space<vmem>>, vector<1x16xf32>,
      %get3A_770 = vector.shape_cast %get3A_769 : vector<1x16xf32> to vector<16xf32>
      %add3A_771 = arith.constant 8 : i32
      %add3A_772 = arith.addi %mul3A_109, %add3A_771 : i32
      %get3A_773 = arith.index_cast %add3A_772 : i32 to index
      %get3A_774 = arith.constant 96 : index
      %get3A_775 = tpu.vector_load %arg8[%get3A_773, %get3A_774] {strides = array<i32>} : memref<640x128xf32, #tpu.memory_space<vmem>>, vector<1x16xf32>,
      %get3A_776 = vector.shape_cast %get3A_775 : vector<1x16xf32> to vector<16xf32>
      %sub3A_777 = arith.subf %get3A_776, %get3A_770 : vector<16xf32>
      %mul3A_778 = arith.mulf %sub3A_777, %get3A_732 : vector<16xf32>
      %add3A_779 = arith.addf %get3A_770, %mul3A_778 : vector<16xf32>
      %add3A_780 = arith.addf %add3A_704, %add3A_779 : vector<16xf32>
      %add3A_781 = arith.constant 8 : i32
      %add3A_782 = arith.addi %mul3A_109, %add3A_781 : i32
      %get3A_783 = arith.index_cast %add3A_782 : i32 to index
      %get3A_784 = arith.constant 48 : index
      %get3A_785 = tpu.vector_load %arg8[%get3A_783, %get3A_784] {strides = array<i32>} : memref<640x128xf32, #tpu.memory_space<vmem>>, vector<1x16xf32>,
      %get3A_786 = vector.shape_cast %get3A_785 : vector<1x16xf32> to vector<16xf32>
      %add3A_787 = arith.constant 8 : i32
      %add3A_788 = arith.addi %mul3A_109, %add3A_787 : i32
      %get3A_789 = arith.index_cast %add3A_788 : i32 to index
      %get3A_790 = arith.constant 112 : index
      %get3A_791 = tpu.vector_load %arg8[%get3A_789, %get3A_790] {strides = array<i32>} : memref<640x128xf32, #tpu.memory_space<vmem>>, vector<1x16xf32>,
      %get3A_792 = vector.shape_cast %get3A_791 : vector<1x16xf32> to vector<16xf32>
      %sub3A_793 = arith.subf %get3A_792, %get3A_786 : vector<16xf32>
      %mul3A_794 = arith.mulf %sub3A_793, %get3A_732 : vector<16xf32>
      %add3A_795 = arith.addf %get3A_786, %mul3A_794 : vector<16xf32>
      %add3A_796 = arith.addf %add3A_720, %add3A_795 : vector<16xf32>
      %add3A_797 = arith.constant 9 : i32
      %add3A_798 = arith.addi %mul3A_109, %add3A_797 : i32
      %mul3A_799 = arith.constant 16 : i32
      %mul3A_800 = arith.muli %add3A_798, %mul3A_799 : i32
      %shift_right_arithmetic3A_801 = arith.constant 7 : i32
      %shift_right_arithmetic3A_802 = arith.shrsi %mul3A_800, %shift_right_arithmetic3A_801 : i32
      %and3A_803 = arith.constant 127 : i32
      %and3A_804 = arith.andi %mul3A_800, %and3A_803 : i32
      %get3A_805 = arith.index_cast %shift_right_arithmetic3A_802 : i32 to index
      %get3A_806 = arith.index_cast %and3A_804 : i32 to index
      %get3A_807 = tpu.vector_load %arg7[%get3A_805, %get3A_806] {strides = array<i32>} : memref<80x128xf32, #tpu.memory_space<vmem>>, vector<1x16xf32>,
      %get3A_808 = vector.shape_cast %get3A_807 : vector<1x16xf32> to vector<16xf32>
      %add3A_809 = arith.constant 9 : i32
      %add3A_810 = arith.addi %mul3A_109, %add3A_809 : i32
      %get3A_811 = arith.index_cast %add3A_810 : i32 to index
      %get3A_812 = arith.constant 0 : index
      %get3A_813 = tpu.vector_load %arg8[%get3A_811, %get3A_812] {strides = array<i32>} : memref<640x128xf32, #tpu.memory_space<vmem>>, vector<1x16xf32>,
      %get3A_814 = vector.shape_cast %get3A_813 : vector<1x16xf32> to vector<16xf32>
      %add3A_815 = arith.constant 9 : i32
      %add3A_816 = arith.addi %mul3A_109, %add3A_815 : i32
      %get3A_817 = arith.index_cast %add3A_816 : i32 to index
      %get3A_818 = arith.constant 64 : index
      %get3A_819 = tpu.vector_load %arg8[%get3A_817, %get3A_818] {strides = array<i32>} : memref<640x128xf32, #tpu.memory_space<vmem>>, vector<1x16xf32>,
      %get3A_820 = vector.shape_cast %get3A_819 : vector<1x16xf32> to vector<16xf32>
      %sub3A_821 = arith.subf %get3A_820, %get3A_814 : vector<16xf32>
      %mul3A_822 = arith.mulf %sub3A_821, %get3A_808 : vector<16xf32>
      %add3A_823 = arith.addf %get3A_814, %mul3A_822 : vector<16xf32>
      %add3A_824 = arith.addf %add3A_748, %add3A_823 : vector<16xf32>
      %add3A_825 = arith.constant 9 : i32
      %add3A_826 = arith.addi %mul3A_109, %add3A_825 : i32
      %get3A_827 = arith.index_cast %add3A_826 : i32 to index
      %get3A_828 = arith.constant 16 : index
      %get3A_829 = tpu.vector_load %arg8[%get3A_827, %get3A_828] {strides = array<i32>} : memref<640x128xf32, #tpu.memory_space<vmem>>, vector<1x16xf32>,
      %get3A_830 = vector.shape_cast %get3A_829 : vector<1x16xf32> to vector<16xf32>
      %add3A_831 = arith.constant 9 : i32
      %add3A_832 = arith.addi %mul3A_109, %add3A_831 : i32
      %get3A_833 = arith.index_cast %add3A_832 : i32 to index
      %get3A_834 = arith.constant 80 : index
      %get3A_835 = tpu.vector_load %arg8[%get3A_833, %get3A_834] {strides = array<i32>} : memref<640x128xf32, #tpu.memory_space<vmem>>, vector<1x16xf32>,
      %get3A_836 = vector.shape_cast %get3A_835 : vector<1x16xf32> to vector<16xf32>
      %sub3A_837 = arith.subf %get3A_836, %get3A_830 : vector<16xf32>
      %mul3A_838 = arith.mulf %sub3A_837, %get3A_808 : vector<16xf32>
      %add3A_839 = arith.addf %get3A_830, %mul3A_838 : vector<16xf32>
      %add3A_840 = arith.addf %add3A_764, %add3A_839 : vector<16xf32>
      %add3A_841 = arith.constant 9 : i32
      %add3A_842 = arith.addi %mul3A_109, %add3A_841 : i32
      %get3A_843 = arith.index_cast %add3A_842 : i32 to index
      %get3A_844 = arith.constant 32 : index
      %get3A_845 = tpu.vector_load %arg8[%get3A_843, %get3A_844] {strides = array<i32>} : memref<640x128xf32, #tpu.memory_space<vmem>>, vector<1x16xf32>,
      %get3A_846 = vector.shape_cast %get3A_845 : vector<1x16xf32> to vector<16xf32>
      %add3A_847 = arith.constant 9 : i32
      %add3A_848 = arith.addi %mul3A_109, %add3A_847 : i32
      %get3A_849 = arith.index_cast %add3A_848 : i32 to index
      %get3A_850 = arith.constant 96 : index
      %get3A_851 = tpu.vector_load %arg8[%get3A_849, %get3A_850] {strides = array<i32>} : memref<640x128xf32, #tpu.memory_space<vmem>>, vector<1x16xf32>,
      %get3A_852 = vector.shape_cast %get3A_851 : vector<1x16xf32> to vector<16xf32>
      %sub3A_853 = arith.subf %get3A_852, %get3A_846 : vector<16xf32>
      %mul3A_854 = arith.mulf %sub3A_853, %get3A_808 : vector<16xf32>
      %add3A_855 = arith.addf %get3A_846, %mul3A_854 : vector<16xf32>
      %add3A_856 = arith.addf %add3A_780, %add3A_855 : vector<16xf32>
      %add3A_857 = arith.constant 9 : i32
      %add3A_858 = arith.addi %mul3A_109, %add3A_857 : i32
      %get3A_859 = arith.index_cast %add3A_858 : i32 to index
      %get3A_860 = arith.constant 48 : index
      %get3A_861 = tpu.vector_load %arg8[%get3A_859, %get3A_860] {strides = array<i32>} : memref<640x128xf32, #tpu.memory_space<vmem>>, vector<1x16xf32>,
      %get3A_862 = vector.shape_cast %get3A_861 : vector<1x16xf32> to vector<16xf32>
      %add3A_863 = arith.constant 9 : i32
      %add3A_864 = arith.addi %mul3A_109, %add3A_863 : i32
      %get3A_865 = arith.index_cast %add3A_864 : i32 to index
      %get3A_866 = arith.constant 112 : index
      %get3A_867 = tpu.vector_load %arg8[%get3A_865, %get3A_866] {strides = array<i32>} : memref<640x128xf32, #tpu.memory_space<vmem>>, vector<1x16xf32>,
      %get3A_868 = vector.shape_cast %get3A_867 : vector<1x16xf32> to vector<16xf32>
      %sub3A_869 = arith.subf %get3A_868, %get3A_862 : vector<16xf32>
      %mul3A_870 = arith.mulf %sub3A_869, %get3A_808 : vector<16xf32>
      %add3A_871 = arith.addf %get3A_862, %mul3A_870 : vector<16xf32>
      %add3A_872 = arith.addf %add3A_796, %add3A_871 : vector<16xf32>
      %add3A_873 = arith.constant 10 : i32
      %add3A_874 = arith.addi %mul3A_109, %add3A_873 : i32
      %mul3A_875 = arith.constant 16 : i32
      %mul3A_876 = arith.muli %add3A_874, %mul3A_875 : i32
      %shift_right_arithmetic3A_877 = arith.constant 7 : i32
      %shift_right_arithmetic3A_878 = arith.shrsi %mul3A_876, %shift_right_arithmetic3A_877 : i32
      %and3A_879 = arith.constant 127 : i32
      %and3A_880 = arith.andi %mul3A_876, %and3A_879 : i32
      %get3A_881 = arith.index_cast %shift_right_arithmetic3A_878 : i32 to index
      %get3A_882 = arith.index_cast %and3A_880 : i32 to index
      %get3A_883 = tpu.vector_load %arg7[%get3A_881, %get3A_882] {strides = array<i32>} : memref<80x128xf32, #tpu.memory_space<vmem>>, vector<1x16xf32>,
      %get3A_884 = vector.shape_cast %get3A_883 : vector<1x16xf32> to vector<16xf32>
      %add3A_885 = arith.constant 10 : i32
      %add3A_886 = arith.addi %mul3A_109, %add3A_885 : i32
      %get3A_887 = arith.index_cast %add3A_886 : i32 to index
      %get3A_888 = arith.constant 0 : index
      %get3A_889 = tpu.vector_load %arg8[%get3A_887, %get3A_888] {strides = array<i32>} : memref<640x128xf32, #tpu.memory_space<vmem>>, vector<1x16xf32>,
      %get3A_890 = vector.shape_cast %get3A_889 : vector<1x16xf32> to vector<16xf32>
      %add3A_891 = arith.constant 10 : i32
      %add3A_892 = arith.addi %mul3A_109, %add3A_891 : i32
      %get3A_893 = arith.index_cast %add3A_892 : i32 to index
      %get3A_894 = arith.constant 64 : index
      %get3A_895 = tpu.vector_load %arg8[%get3A_893, %get3A_894] {strides = array<i32>} : memref<640x128xf32, #tpu.memory_space<vmem>>, vector<1x16xf32>,
      %get3A_896 = vector.shape_cast %get3A_895 : vector<1x16xf32> to vector<16xf32>
      %sub3A_897 = arith.subf %get3A_896, %get3A_890 : vector<16xf32>
      %mul3A_898 = arith.mulf %sub3A_897, %get3A_884 : vector<16xf32>
      %add3A_899 = arith.addf %get3A_890, %mul3A_898 : vector<16xf32>
      %add3A_900 = arith.addf %add3A_824, %add3A_899 : vector<16xf32>
      %add3A_901 = arith.constant 10 : i32
      %add3A_902 = arith.addi %mul3A_109, %add3A_901 : i32
      %get3A_903 = arith.index_cast %add3A_902 : i32 to index
      %get3A_904 = arith.constant 16 : index
      %get3A_905 = tpu.vector_load %arg8[%get3A_903, %get3A_904] {strides = array<i32>} : memref<640x128xf32, #tpu.memory_space<vmem>>, vector<1x16xf32>,
      %get3A_906 = vector.shape_cast %get3A_905 : vector<1x16xf32> to vector<16xf32>
      %add3A_907 = arith.constant 10 : i32
      %add3A_908 = arith.addi %mul3A_109, %add3A_907 : i32
      %get3A_909 = arith.index_cast %add3A_908 : i32 to index
      %get3A_910 = arith.constant 80 : index
      %get3A_911 = tpu.vector_load %arg8[%get3A_909, %get3A_910] {strides = array<i32>} : memref<640x128xf32, #tpu.memory_space<vmem>>, vector<1x16xf32>,
      %get3A_912 = vector.shape_cast %get3A_911 : vector<1x16xf32> to vector<16xf32>
      %sub3A_913 = arith.subf %get3A_912, %get3A_906 : vector<16xf32>
      %mul3A_914 = arith.mulf %sub3A_913, %get3A_884 : vector<16xf32>
      %add3A_915 = arith.addf %get3A_906, %mul3A_914 : vector<16xf32>
      %add3A_916 = arith.addf %add3A_840, %add3A_915 : vector<16xf32>
      %add3A_917 = arith.constant 10 : i32
      %add3A_918 = arith.addi %mul3A_109, %add3A_917 : i32
      %get3A_919 = arith.index_cast %add3A_918 : i32 to index
      %get3A_920 = arith.constant 32 : index
      %get3A_921 = tpu.vector_load %arg8[%get3A_919, %get3A_920] {strides = array<i32>} : memref<640x128xf32, #tpu.memory_space<vmem>>, vector<1x16xf32>,
      %get3A_922 = vector.shape_cast %get3A_921 : vector<1x16xf32> to vector<16xf32>
      %add3A_923 = arith.constant 10 : i32
      %add3A_924 = arith.addi %mul3A_109, %add3A_923 : i32
      %get3A_925 = arith.index_cast %add3A_924 : i32 to index
      %get3A_926 = arith.constant 96 : index
      %get3A_927 = tpu.vector_load %arg8[%get3A_925, %get3A_926] {strides = array<i32>} : memref<640x128xf32, #tpu.memory_space<vmem>>, vector<1x16xf32>,
      %get3A_928 = vector.shape_cast %get3A_927 : vector<1x16xf32> to vector<16xf32>
      %sub3A_929 = arith.subf %get3A_928, %get3A_922 : vector<16xf32>
      %mul3A_930 = arith.mulf %sub3A_929, %get3A_884 : vector<16xf32>
      %add3A_931 = arith.addf %get3A_922, %mul3A_930 : vector<16xf32>
      %add3A_932 = arith.addf %add3A_856, %add3A_931 : vector<16xf32>
      %add3A_933 = arith.constant 10 : i32
      %add3A_934 = arith.addi %mul3A_109, %add3A_933 : i32
      %get3A_935 = arith.index_cast %add3A_934 : i32 to index
      %get3A_936 = arith.constant 48 : index
      %get3A_937 = tpu.vector_load %arg8[%get3A_935, %get3A_936] {strides = array<i32>} : memref<640x128xf32, #tpu.memory_space<vmem>>, vector<1x16xf32>,
      %get3A_938 = vector.shape_cast %get3A_937 : vector<1x16xf32> to vector<16xf32>
      %add3A_939 = arith.constant 10 : i32
      %add3A_940 = arith.addi %mul3A_109, %add3A_939 : i32
      %get3A_941 = arith.index_cast %add3A_940 : i32 to index
      %get3A_942 = arith.constant 112 : index
      %get3A_943 = tpu.vector_load %arg8[%get3A_941, %get3A_942] {strides = array<i32>} : memref<640x128xf32, #tpu.memory_space<vmem>>, vector<1x16xf32>,
      %get3A_944 = vector.shape_cast %get3A_943 : vector<1x16xf32> to vector<16xf32>
      %sub3A_945 = arith.subf %get3A_944, %get3A_938 : vector<16xf32>
      %mul3A_946 = arith.mulf %sub3A_945, %get3A_884 : vector<16xf32>
      %add3A_947 = arith.addf %get3A_938, %mul3A_946 : vector<16xf32>
      %add3A_948 = arith.addf %add3A_872, %add3A_947 : vector<16xf32>
      %add3A_949 = arith.constant 11 : i32
      %add3A_950 = arith.addi %mul3A_109, %add3A_949 : i32
      %mul3A_951 = arith.constant 16 : i32
      %mul3A_952 = arith.muli %add3A_950, %mul3A_951 : i32
      %shift_right_arithmetic3A_953 = arith.constant 7 : i32
      %shift_right_arithmetic3A_954 = arith.shrsi %mul3A_952, %shift_right_arithmetic3A_953 : i32
      %and3A_955 = arith.constant 127 : i32
      %and3A_956 = arith.andi %mul3A_952, %and3A_955 : i32
      %get3A_957 = arith.index_cast %shift_right_arithmetic3A_954 : i32 to index
      %get3A_958 = arith.index_cast %and3A_956 : i32 to index
      %get3A_959 = tpu.vector_load %arg7[%get3A_957, %get3A_958] {strides = array<i32>} : memref<80x128xf32, #tpu.memory_space<vmem>>, vector<1x16xf32>,
      %get3A_960 = vector.shape_cast %get3A_959 : vector<1x16xf32> to vector<16xf32>
      %add3A_961 = arith.constant 11 : i32
      %add3A_962 = arith.addi %mul3A_109, %add3A_961 : i32
      %get3A_963 = arith.index_cast %add3A_962 : i32 to index
      %get3A_964 = arith.constant 0 : index
      %get3A_965 = tpu.vector_load %arg8[%get3A_963, %get3A_964] {strides = array<i32>} : memref<640x128xf32, #tpu.memory_space<vmem>>, vector<1x16xf32>,
      %get3A_966 = vector.shape_cast %get3A_965 : vector<1x16xf32> to vector<16xf32>
      %add3A_967 = arith.constant 11 : i32
      %add3A_968 = arith.addi %mul3A_109, %add3A_967 : i32
      %get3A_969 = arith.index_cast %add3A_968 : i32 to index
      %get3A_970 = arith.constant 64 : index
      %get3A_971 = tpu.vector_load %arg8[%get3A_969, %get3A_970] {strides = array<i32>} : memref<640x128xf32, #tpu.memory_space<vmem>>, vector<1x16xf32>,
      %get3A_972 = vector.shape_cast %get3A_971 : vector<1x16xf32> to vector<16xf32>
      %sub3A_973 = arith.subf %get3A_972, %get3A_966 : vector<16xf32>
      %mul3A_974 = arith.mulf %sub3A_973, %get3A_960 : vector<16xf32>
      %add3A_975 = arith.addf %get3A_966, %mul3A_974 : vector<16xf32>
      %add3A_976 = arith.addf %add3A_900, %add3A_975 : vector<16xf32>
      %add3A_977 = arith.constant 11 : i32
      %add3A_978 = arith.addi %mul3A_109, %add3A_977 : i32
      %get3A_979 = arith.index_cast %add3A_978 : i32 to index
      %get3A_980 = arith.constant 16 : index
      %get3A_981 = tpu.vector_load %arg8[%get3A_979, %get3A_980] {strides = array<i32>} : memref<640x128xf32, #tpu.memory_space<vmem>>, vector<1x16xf32>,
      %get3A_982 = vector.shape_cast %get3A_981 : vector<1x16xf32> to vector<16xf32>
      %add3A_983 = arith.constant 11 : i32
      %add3A_984 = arith.addi %mul3A_109, %add3A_983 : i32
      %get3A_985 = arith.index_cast %add3A_984 : i32 to index
      %get3A_986 = arith.constant 80 : index
      %get3A_987 = tpu.vector_load %arg8[%get3A_985, %get3A_986] {strides = array<i32>} : memref<640x128xf32, #tpu.memory_space<vmem>>, vector<1x16xf32>,
      %get3A_988 = vector.shape_cast %get3A_987 : vector<1x16xf32> to vector<16xf32>
      %sub3A_989 = arith.subf %get3A_988, %get3A_982 : vector<16xf32>
      %mul3A_990 = arith.mulf %sub3A_989, %get3A_960 : vector<16xf32>
      %add3A_991 = arith.addf %get3A_982, %mul3A_990 : vector<16xf32>
      %add3A_992 = arith.addf %add3A_916, %add3A_991 : vector<16xf32>
      %add3A_993 = arith.constant 11 : i32
      %add3A_994 = arith.addi %mul3A_109, %add3A_993 : i32
      %get3A_995 = arith.index_cast %add3A_994 : i32 to index
      %get3A_996 = arith.constant 32 : index
      %get3A_997 = tpu.vector_load %arg8[%get3A_995, %get3A_996] {strides = array<i32>} : memref<640x128xf32, #tpu.memory_space<vmem>>, vector<1x16xf32>,
      %get3A_998 = vector.shape_cast %get3A_997 : vector<1x16xf32> to vector<16xf32>
      %add3A_999 = arith.constant 11 : i32
      %add3A_1000 = arith.addi %mul3A_109, %add3A_999 : i32
      %get3A_1001 = arith.index_cast %add3A_1000 : i32 to index
      %get3A_1002 = arith.constant 96 : index
      %get3A_1003 = tpu.vector_load %arg8[%get3A_1001, %get3A_1002] {strides = array<i32>} : memref<640x128xf32, #tpu.memory_space<vmem>>, vector<1x16xf32>,
      %get3A_1004 = vector.shape_cast %get3A_1003 : vector<1x16xf32> to vector<16xf32>
      %sub3A_1005 = arith.subf %get3A_1004, %get3A_998 : vector<16xf32>
      %mul3A_1006 = arith.mulf %sub3A_1005, %get3A_960 : vector<16xf32>
      %add3A_1007 = arith.addf %get3A_998, %mul3A_1006 : vector<16xf32>
      %add3A_1008 = arith.addf %add3A_932, %add3A_1007 : vector<16xf32>
      %add3A_1009 = arith.constant 11 : i32
      %add3A_1010 = arith.addi %mul3A_109, %add3A_1009 : i32
      %get3A_1011 = arith.index_cast %add3A_1010 : i32 to index
      %get3A_1012 = arith.constant 48 : index
      %get3A_1013 = tpu.vector_load %arg8[%get3A_1011, %get3A_1012] {strides = array<i32>} : memref<640x128xf32, #tpu.memory_space<vmem>>, vector<1x16xf32>,
      %get3A_1014 = vector.shape_cast %get3A_1013 : vector<1x16xf32> to vector<16xf32>
      %add3A_1015 = arith.constant 11 : i32
      %add3A_1016 = arith.addi %mul3A_109, %add3A_1015 : i32
      %get3A_1017 = arith.index_cast %add3A_1016 : i32 to index
      %get3A_1018 = arith.constant 112 : index
      %get3A_1019 = tpu.vector_load %arg8[%get3A_1017, %get3A_1018] {strides = array<i32>} : memref<640x128xf32, #tpu.memory_space<vmem>>, vector<1x16xf32>,
      %get3A_1020 = vector.shape_cast %get3A_1019 : vector<1x16xf32> to vector<16xf32>
      %sub3A_1021 = arith.subf %get3A_1020, %get3A_1014 : vector<16xf32>
      %mul3A_1022 = arith.mulf %sub3A_1021, %get3A_960 : vector<16xf32>
      %add3A_1023 = arith.addf %get3A_1014, %mul3A_1022 : vector<16xf32>
      %add3A_1024 = arith.addf %add3A_948, %add3A_1023 : vector<16xf32>
      %add3A_1025 = arith.constant 12 : i32
      %add3A_1026 = arith.addi %mul3A_109, %add3A_1025 : i32
      %mul3A_1027 = arith.constant 16 : i32
      %mul3A_1028 = arith.muli %add3A_1026, %mul3A_1027 : i32
      %shift_right_arithmetic3A_1029 = arith.constant 7 : i32
      %shift_right_arithmetic3A_1030 = arith.shrsi %mul3A_1028, %shift_right_arithmetic3A_1029 : i32
      %and3A_1031 = arith.constant 127 : i32
      %and3A_1032 = arith.andi %mul3A_1028, %and3A_1031 : i32
      %get3A_1033 = arith.index_cast %shift_right_arithmetic3A_1030 : i32 to index
      %get3A_1034 = arith.index_cast %and3A_1032 : i32 to index
      %get3A_1035 = tpu.vector_load %arg7[%get3A_1033, %get3A_1034] {strides = array<i32>} : memref<80x128xf32, #tpu.memory_space<vmem>>, vector<1x16xf32>,
      %get3A_1036 = vector.shape_cast %get3A_1035 : vector<1x16xf32> to vector<16xf32>
      %add3A_1037 = arith.constant 12 : i32
      %add3A_1038 = arith.addi %mul3A_109, %add3A_1037 : i32
      %get3A_1039 = arith.index_cast %add3A_1038 : i32 to index
      %get3A_1040 = arith.constant 0 : index
      %get3A_1041 = tpu.vector_load %arg8[%get3A_1039, %get3A_1040] {strides = array<i32>} : memref<640x128xf32, #tpu.memory_space<vmem>>, vector<1x16xf32>,
      %get3A_1042 = vector.shape_cast %get3A_1041 : vector<1x16xf32> to vector<16xf32>
      %add3A_1043 = arith.constant 12 : i32
      %add3A_1044 = arith.addi %mul3A_109, %add3A_1043 : i32
      %get3A_1045 = arith.index_cast %add3A_1044 : i32 to index
      %get3A_1046 = arith.constant 64 : index
      %get3A_1047 = tpu.vector_load %arg8[%get3A_1045, %get3A_1046] {strides = array<i32>} : memref<640x128xf32, #tpu.memory_space<vmem>>, vector<1x16xf32>,
      %get3A_1048 = vector.shape_cast %get3A_1047 : vector<1x16xf32> to vector<16xf32>
      %sub3A_1049 = arith.subf %get3A_1048, %get3A_1042 : vector<16xf32>
      %mul3A_1050 = arith.mulf %sub3A_1049, %get3A_1036 : vector<16xf32>
      %add3A_1051 = arith.addf %get3A_1042, %mul3A_1050 : vector<16xf32>
      %add3A_1052 = arith.addf %add3A_976, %add3A_1051 : vector<16xf32>
      %add3A_1053 = arith.constant 12 : i32
      %add3A_1054 = arith.addi %mul3A_109, %add3A_1053 : i32
      %get3A_1055 = arith.index_cast %add3A_1054 : i32 to index
      %get3A_1056 = arith.constant 16 : index
      %get3A_1057 = tpu.vector_load %arg8[%get3A_1055, %get3A_1056] {strides = array<i32>} : memref<640x128xf32, #tpu.memory_space<vmem>>, vector<1x16xf32>,
      %get3A_1058 = vector.shape_cast %get3A_1057 : vector<1x16xf32> to vector<16xf32>
      %add3A_1059 = arith.constant 12 : i32
      %add3A_1060 = arith.addi %mul3A_109, %add3A_1059 : i32
      %get3A_1061 = arith.index_cast %add3A_1060 : i32 to index
      %get3A_1062 = arith.constant 80 : index
      %get3A_1063 = tpu.vector_load %arg8[%get3A_1061, %get3A_1062] {strides = array<i32>} : memref<640x128xf32, #tpu.memory_space<vmem>>, vector<1x16xf32>,
      %get3A_1064 = vector.shape_cast %get3A_1063 : vector<1x16xf32> to vector<16xf32>
      %sub3A_1065 = arith.subf %get3A_1064, %get3A_1058 : vector<16xf32>
      %mul3A_1066 = arith.mulf %sub3A_1065, %get3A_1036 : vector<16xf32>
      %add3A_1067 = arith.addf %get3A_1058, %mul3A_1066 : vector<16xf32>
      %add3A_1068 = arith.addf %add3A_992, %add3A_1067 : vector<16xf32>
      %add3A_1069 = arith.constant 12 : i32
      %add3A_1070 = arith.addi %mul3A_109, %add3A_1069 : i32
      %get3A_1071 = arith.index_cast %add3A_1070 : i32 to index
      %get3A_1072 = arith.constant 32 : index
      %get3A_1073 = tpu.vector_load %arg8[%get3A_1071, %get3A_1072] {strides = array<i32>} : memref<640x128xf32, #tpu.memory_space<vmem>>, vector<1x16xf32>,
      %get3A_1074 = vector.shape_cast %get3A_1073 : vector<1x16xf32> to vector<16xf32>
      %add3A_1075 = arith.constant 12 : i32
      %add3A_1076 = arith.addi %mul3A_109, %add3A_1075 : i32
      %get3A_1077 = arith.index_cast %add3A_1076 : i32 to index
      %get3A_1078 = arith.constant 96 : index
      %get3A_1079 = tpu.vector_load %arg8[%get3A_1077, %get3A_1078] {strides = array<i32>} : memref<640x128xf32, #tpu.memory_space<vmem>>, vector<1x16xf32>,
      %get3A_1080 = vector.shape_cast %get3A_1079 : vector<1x16xf32> to vector<16xf32>
      %sub3A_1081 = arith.subf %get3A_1080, %get3A_1074 : vector<16xf32>
      %mul3A_1082 = arith.mulf %sub3A_1081, %get3A_1036 : vector<16xf32>
      %add3A_1083 = arith.addf %get3A_1074, %mul3A_1082 : vector<16xf32>
      %add3A_1084 = arith.addf %add3A_1008, %add3A_1083 : vector<16xf32>
      %add3A_1085 = arith.constant 12 : i32
      %add3A_1086 = arith.addi %mul3A_109, %add3A_1085 : i32
      %get3A_1087 = arith.index_cast %add3A_1086 : i32 to index
      %get3A_1088 = arith.constant 48 : index
      %get3A_1089 = tpu.vector_load %arg8[%get3A_1087, %get3A_1088] {strides = array<i32>} : memref<640x128xf32, #tpu.memory_space<vmem>>, vector<1x16xf32>,
      %get3A_1090 = vector.shape_cast %get3A_1089 : vector<1x16xf32> to vector<16xf32>
      %add3A_1091 = arith.constant 12 : i32
      %add3A_1092 = arith.addi %mul3A_109, %add3A_1091 : i32
      %get3A_1093 = arith.index_cast %add3A_1092 : i32 to index
      %get3A_1094 = arith.constant 112 : index
      %get3A_1095 = tpu.vector_load %arg8[%get3A_1093, %get3A_1094] {strides = array<i32>} : memref<640x128xf32, #tpu.memory_space<vmem>>, vector<1x16xf32>,
      %get3A_1096 = vector.shape_cast %get3A_1095 : vector<1x16xf32> to vector<16xf32>
      %sub3A_1097 = arith.subf %get3A_1096, %get3A_1090 : vector<16xf32>
      %mul3A_1098 = arith.mulf %sub3A_1097, %get3A_1036 : vector<16xf32>
      %add3A_1099 = arith.addf %get3A_1090, %mul3A_1098 : vector<16xf32>
      %add3A_1100 = arith.addf %add3A_1024, %add3A_1099 : vector<16xf32>
      %add3A_1101 = arith.constant 13 : i32
      %add3A_1102 = arith.addi %mul3A_109, %add3A_1101 : i32
      %mul3A_1103 = arith.constant 16 : i32
      %mul3A_1104 = arith.muli %add3A_1102, %mul3A_1103 : i32
      %shift_right_arithmetic3A_1105 = arith.constant 7 : i32
      %shift_right_arithmetic3A_1106 = arith.shrsi %mul3A_1104, %shift_right_arithmetic3A_1105 : i32
      %and3A_1107 = arith.constant 127 : i32
      %and3A_1108 = arith.andi %mul3A_1104, %and3A_1107 : i32
      %get3A_1109 = arith.index_cast %shift_right_arithmetic3A_1106 : i32 to index
      %get3A_1110 = arith.index_cast %and3A_1108 : i32 to index
      %get3A_1111 = tpu.vector_load %arg7[%get3A_1109, %get3A_1110] {strides = array<i32>} : memref<80x128xf32, #tpu.memory_space<vmem>>, vector<1x16xf32>,
      %get3A_1112 = vector.shape_cast %get3A_1111 : vector<1x16xf32> to vector<16xf32>
      %add3A_1113 = arith.constant 13 : i32
      %add3A_1114 = arith.addi %mul3A_109, %add3A_1113 : i32
      %get3A_1115 = arith.index_cast %add3A_1114 : i32 to index
      %get3A_1116 = arith.constant 0 : index
      %get3A_1117 = tpu.vector_load %arg8[%get3A_1115, %get3A_1116] {strides = array<i32>} : memref<640x128xf32, #tpu.memory_space<vmem>>, vector<1x16xf32>,
      %get3A_1118 = vector.shape_cast %get3A_1117 : vector<1x16xf32> to vector<16xf32>
      %add3A_1119 = arith.constant 13 : i32
      %add3A_1120 = arith.addi %mul3A_109, %add3A_1119 : i32
      %get3A_1121 = arith.index_cast %add3A_1120 : i32 to index
      %get3A_1122 = arith.constant 64 : index
      %get3A_1123 = tpu.vector_load %arg8[%get3A_1121, %get3A_1122] {strides = array<i32>} : memref<640x128xf32, #tpu.memory_space<vmem>>, vector<1x16xf32>,
      %get3A_1124 = vector.shape_cast %get3A_1123 : vector<1x16xf32> to vector<16xf32>
      %sub3A_1125 = arith.subf %get3A_1124, %get3A_1118 : vector<16xf32>
      %mul3A_1126 = arith.mulf %sub3A_1125, %get3A_1112 : vector<16xf32>
      %add3A_1127 = arith.addf %get3A_1118, %mul3A_1126 : vector<16xf32>
      %add3A_1128 = arith.addf %add3A_1052, %add3A_1127 : vector<16xf32>
      %add3A_1129 = arith.constant 13 : i32
      %add3A_1130 = arith.addi %mul3A_109, %add3A_1129 : i32
      %get3A_1131 = arith.index_cast %add3A_1130 : i32 to index
      %get3A_1132 = arith.constant 16 : index
      %get3A_1133 = tpu.vector_load %arg8[%get3A_1131, %get3A_1132] {strides = array<i32>} : memref<640x128xf32, #tpu.memory_space<vmem>>, vector<1x16xf32>,
      %get3A_1134 = vector.shape_cast %get3A_1133 : vector<1x16xf32> to vector<16xf32>
      %add3A_1135 = arith.constant 13 : i32
      %add3A_1136 = arith.addi %mul3A_109, %add3A_1135 : i32
      %get3A_1137 = arith.index_cast %add3A_1136 : i32 to index
      %get3A_1138 = arith.constant 80 : index
      %get3A_1139 = tpu.vector_load %arg8[%get3A_1137, %get3A_1138] {strides = array<i32>} : memref<640x128xf32, #tpu.memory_space<vmem>>, vector<1x16xf32>,
      %get3A_1140 = vector.shape_cast %get3A_1139 : vector<1x16xf32> to vector<16xf32>
      %sub3A_1141 = arith.subf %get3A_1140, %get3A_1134 : vector<16xf32>
      %mul3A_1142 = arith.mulf %sub3A_1141, %get3A_1112 : vector<16xf32>
      %add3A_1143 = arith.addf %get3A_1134, %mul3A_1142 : vector<16xf32>
      %add3A_1144 = arith.addf %add3A_1068, %add3A_1143 : vector<16xf32>
      %add3A_1145 = arith.constant 13 : i32
      %add3A_1146 = arith.addi %mul3A_109, %add3A_1145 : i32
      %get3A_1147 = arith.index_cast %add3A_1146 : i32 to index
      %get3A_1148 = arith.constant 32 : index
      %get3A_1149 = tpu.vector_load %arg8[%get3A_1147, %get3A_1148] {strides = array<i32>} : memref<640x128xf32, #tpu.memory_space<vmem>>, vector<1x16xf32>,
      %get3A_1150 = vector.shape_cast %get3A_1149 : vector<1x16xf32> to vector<16xf32>
      %add3A_1151 = arith.constant 13 : i32
      %add3A_1152 = arith.addi %mul3A_109, %add3A_1151 : i32
      %get3A_1153 = arith.index_cast %add3A_1152 : i32 to index
      %get3A_1154 = arith.constant 96 : index
      %get3A_1155 = tpu.vector_load %arg8[%get3A_1153, %get3A_1154] {strides = array<i32>} : memref<640x128xf32, #tpu.memory_space<vmem>>, vector<1x16xf32>,
      %get3A_1156 = vector.shape_cast %get3A_1155 : vector<1x16xf32> to vector<16xf32>
      %sub3A_1157 = arith.subf %get3A_1156, %get3A_1150 : vector<16xf32>
      %mul3A_1158 = arith.mulf %sub3A_1157, %get3A_1112 : vector<16xf32>
      %add3A_1159 = arith.addf %get3A_1150, %mul3A_1158 : vector<16xf32>
      %add3A_1160 = arith.addf %add3A_1084, %add3A_1159 : vector<16xf32>
      %add3A_1161 = arith.constant 13 : i32
      %add3A_1162 = arith.addi %mul3A_109, %add3A_1161 : i32
      %get3A_1163 = arith.index_cast %add3A_1162 : i32 to index
      %get3A_1164 = arith.constant 48 : index
      %get3A_1165 = tpu.vector_load %arg8[%get3A_1163, %get3A_1164] {strides = array<i32>} : memref<640x128xf32, #tpu.memory_space<vmem>>, vector<1x16xf32>,
      %get3A_1166 = vector.shape_cast %get3A_1165 : vector<1x16xf32> to vector<16xf32>
      %add3A_1167 = arith.constant 13 : i32
      %add3A_1168 = arith.addi %mul3A_109, %add3A_1167 : i32
      %get3A_1169 = arith.index_cast %add3A_1168 : i32 to index
      %get3A_1170 = arith.constant 112 : index
      %get3A_1171 = tpu.vector_load %arg8[%get3A_1169, %get3A_1170] {strides = array<i32>} : memref<640x128xf32, #tpu.memory_space<vmem>>, vector<1x16xf32>,
      %get3A_1172 = vector.shape_cast %get3A_1171 : vector<1x16xf32> to vector<16xf32>
      %sub3A_1173 = arith.subf %get3A_1172, %get3A_1166 : vector<16xf32>
      %mul3A_1174 = arith.mulf %sub3A_1173, %get3A_1112 : vector<16xf32>
      %add3A_1175 = arith.addf %get3A_1166, %mul3A_1174 : vector<16xf32>
      %add3A_1176 = arith.addf %add3A_1100, %add3A_1175 : vector<16xf32>
      %add3A_1177 = arith.constant 14 : i32
      %add3A_1178 = arith.addi %mul3A_109, %add3A_1177 : i32
      %mul3A_1179 = arith.constant 16 : i32
      %mul3A_1180 = arith.muli %add3A_1178, %mul3A_1179 : i32
      %shift_right_arithmetic3A_1181 = arith.constant 7 : i32
      %shift_right_arithmetic3A_1182 = arith.shrsi %mul3A_1180, %shift_right_arithmetic3A_1181 : i32
      %and3A_1183 = arith.constant 127 : i32
      %and3A_1184 = arith.andi %mul3A_1180, %and3A_1183 : i32
      %get3A_1185 = arith.index_cast %shift_right_arithmetic3A_1182 : i32 to index
      %get3A_1186 = arith.index_cast %and3A_1184 : i32 to index
      %get3A_1187 = tpu.vector_load %arg7[%get3A_1185, %get3A_1186] {strides = array<i32>} : memref<80x128xf32, #tpu.memory_space<vmem>>, vector<1x16xf32>,
      %get3A_1188 = vector.shape_cast %get3A_1187 : vector<1x16xf32> to vector<16xf32>
      %add3A_1189 = arith.constant 14 : i32
      %add3A_1190 = arith.addi %mul3A_109, %add3A_1189 : i32
      %get3A_1191 = arith.index_cast %add3A_1190 : i32 to index
      %get3A_1192 = arith.constant 0 : index
      %get3A_1193 = tpu.vector_load %arg8[%get3A_1191, %get3A_1192] {strides = array<i32>} : memref<640x128xf32, #tpu.memory_space<vmem>>, vector<1x16xf32>,
      %get3A_1194 = vector.shape_cast %get3A_1193 : vector<1x16xf32> to vector<16xf32>
      %add3A_1195 = arith.constant 14 : i32
      %add3A_1196 = arith.addi %mul3A_109, %add3A_1195 : i32
      %get3A_1197 = arith.index_cast %add3A_1196 : i32 to index
      %get3A_1198 = arith.constant 64 : index
      %get3A_1199 = tpu.vector_load %arg8[%get3A_1197, %get3A_1198] {strides = array<i32>} : memref<640x128xf32, #tpu.memory_space<vmem>>, vector<1x16xf32>,
      %get3A_1200 = vector.shape_cast %get3A_1199 : vector<1x16xf32> to vector<16xf32>
      %sub3A_1201 = arith.subf %get3A_1200, %get3A_1194 : vector<16xf32>
      %mul3A_1202 = arith.mulf %sub3A_1201, %get3A_1188 : vector<16xf32>
      %add3A_1203 = arith.addf %get3A_1194, %mul3A_1202 : vector<16xf32>
      %add3A_1204 = arith.addf %add3A_1128, %add3A_1203 : vector<16xf32>
      %add3A_1205 = arith.constant 14 : i32
      %add3A_1206 = arith.addi %mul3A_109, %add3A_1205 : i32
      %get3A_1207 = arith.index_cast %add3A_1206 : i32 to index
      %get3A_1208 = arith.constant 16 : index
      %get3A_1209 = tpu.vector_load %arg8[%get3A_1207, %get3A_1208] {strides = array<i32>} : memref<640x128xf32, #tpu.memory_space<vmem>>, vector<1x16xf32>,
      %get3A_1210 = vector.shape_cast %get3A_1209 : vector<1x16xf32> to vector<16xf32>
      %add3A_1211 = arith.constant 14 : i32
      %add3A_1212 = arith.addi %mul3A_109, %add3A_1211 : i32
      %get3A_1213 = arith.index_cast %add3A_1212 : i32 to index
      %get3A_1214 = arith.constant 80 : index
      %get3A_1215 = tpu.vector_load %arg8[%get3A_1213, %get3A_1214] {strides = array<i32>} : memref<640x128xf32, #tpu.memory_space<vmem>>, vector<1x16xf32>,
      %get3A_1216 = vector.shape_cast %get3A_1215 : vector<1x16xf32> to vector<16xf32>
      %sub3A_1217 = arith.subf %get3A_1216, %get3A_1210 : vector<16xf32>
      %mul3A_1218 = arith.mulf %sub3A_1217, %get3A_1188 : vector<16xf32>
      %add3A_1219 = arith.addf %get3A_1210, %mul3A_1218 : vector<16xf32>
      %add3A_1220 = arith.addf %add3A_1144, %add3A_1219 : vector<16xf32>
      %add3A_1221 = arith.constant 14 : i32
      %add3A_1222 = arith.addi %mul3A_109, %add3A_1221 : i32
      %get3A_1223 = arith.index_cast %add3A_1222 : i32 to index
      %get3A_1224 = arith.constant 32 : index
      %get3A_1225 = tpu.vector_load %arg8[%get3A_1223, %get3A_1224] {strides = array<i32>} : memref<640x128xf32, #tpu.memory_space<vmem>>, vector<1x16xf32>,
      %get3A_1226 = vector.shape_cast %get3A_1225 : vector<1x16xf32> to vector<16xf32>
      %add3A_1227 = arith.constant 14 : i32
      %add3A_1228 = arith.addi %mul3A_109, %add3A_1227 : i32
      %get3A_1229 = arith.index_cast %add3A_1228 : i32 to index
      %get3A_1230 = arith.constant 96 : index
      %get3A_1231 = tpu.vector_load %arg8[%get3A_1229, %get3A_1230] {strides = array<i32>} : memref<640x128xf32, #tpu.memory_space<vmem>>, vector<1x16xf32>,
      %get3A_1232 = vector.shape_cast %get3A_1231 : vector<1x16xf32> to vector<16xf32>
      %sub3A_1233 = arith.subf %get3A_1232, %get3A_1226 : vector<16xf32>
      %mul3A_1234 = arith.mulf %sub3A_1233, %get3A_1188 : vector<16xf32>
      %add3A_1235 = arith.addf %get3A_1226, %mul3A_1234 : vector<16xf32>
      %add3A_1236 = arith.addf %add3A_1160, %add3A_1235 : vector<16xf32>
      %add3A_1237 = arith.constant 14 : i32
      %add3A_1238 = arith.addi %mul3A_109, %add3A_1237 : i32
      %get3A_1239 = arith.index_cast %add3A_1238 : i32 to index
      %get3A_1240 = arith.constant 48 : index
      %get3A_1241 = tpu.vector_load %arg8[%get3A_1239, %get3A_1240] {strides = array<i32>} : memref<640x128xf32, #tpu.memory_space<vmem>>, vector<1x16xf32>,
      %get3A_1242 = vector.shape_cast %get3A_1241 : vector<1x16xf32> to vector<16xf32>
      %add3A_1243 = arith.constant 14 : i32
      %add3A_1244 = arith.addi %mul3A_109, %add3A_1243 : i32
      %get3A_1245 = arith.index_cast %add3A_1244 : i32 to index
      %get3A_1246 = arith.constant 112 : index
      %get3A_1247 = tpu.vector_load %arg8[%get3A_1245, %get3A_1246] {strides = array<i32>} : memref<640x128xf32, #tpu.memory_space<vmem>>, vector<1x16xf32>,
      %get3A_1248 = vector.shape_cast %get3A_1247 : vector<1x16xf32> to vector<16xf32>
      %sub3A_1249 = arith.subf %get3A_1248, %get3A_1242 : vector<16xf32>
      %mul3A_1250 = arith.mulf %sub3A_1249, %get3A_1188 : vector<16xf32>
      %add3A_1251 = arith.addf %get3A_1242, %mul3A_1250 : vector<16xf32>
      %add3A_1252 = arith.addf %add3A_1176, %add3A_1251 : vector<16xf32>
      %add3A_1253 = arith.constant 15 : i32
      %add3A_1254 = arith.addi %mul3A_109, %add3A_1253 : i32
      %mul3A_1255 = arith.constant 16 : i32
      %mul3A_1256 = arith.muli %add3A_1254, %mul3A_1255 : i32
      %shift_right_arithmetic3A_1257 = arith.constant 7 : i32
      %shift_right_arithmetic3A_1258 = arith.shrsi %mul3A_1256, %shift_right_arithmetic3A_1257 : i32
      %and3A_1259 = arith.constant 127 : i32
      %and3A_1260 = arith.andi %mul3A_1256, %and3A_1259 : i32
      %get3A_1261 = arith.index_cast %shift_right_arithmetic3A_1258 : i32 to index
      %get3A_1262 = arith.index_cast %and3A_1260 : i32 to index
      %get3A_1263 = tpu.vector_load %arg7[%get3A_1261, %get3A_1262] {strides = array<i32>} : memref<80x128xf32, #tpu.memory_space<vmem>>, vector<1x16xf32>,
      %get3A_1264 = vector.shape_cast %get3A_1263 : vector<1x16xf32> to vector<16xf32>
      %add3A_1265 = arith.constant 15 : i32
      %add3A_1266 = arith.addi %mul3A_109, %add3A_1265 : i32
      %get3A_1267 = arith.index_cast %add3A_1266 : i32 to index
      %get3A_1268 = arith.constant 0 : index
      %get3A_1269 = tpu.vector_load %arg8[%get3A_1267, %get3A_1268] {strides = array<i32>} : memref<640x128xf32, #tpu.memory_space<vmem>>, vector<1x16xf32>,
      %get3A_1270 = vector.shape_cast %get3A_1269 : vector<1x16xf32> to vector<16xf32>
      %add3A_1271 = arith.constant 15 : i32
      %add3A_1272 = arith.addi %mul3A_109, %add3A_1271 : i32
      %get3A_1273 = arith.index_cast %add3A_1272 : i32 to index
      %get3A_1274 = arith.constant 64 : index
      %get3A_1275 = tpu.vector_load %arg8[%get3A_1273, %get3A_1274] {strides = array<i32>} : memref<640x128xf32, #tpu.memory_space<vmem>>, vector<1x16xf32>,
      %get3A_1276 = vector.shape_cast %get3A_1275 : vector<1x16xf32> to vector<16xf32>
      %sub3A_1277 = arith.subf %get3A_1276, %get3A_1270 : vector<16xf32>
      %mul3A_1278 = arith.mulf %sub3A_1277, %get3A_1264 : vector<16xf32>
      %add3A_1279 = arith.addf %get3A_1270, %mul3A_1278 : vector<16xf32>
      %add3A_1280 = arith.addf %add3A_1204, %add3A_1279 : vector<16xf32>
      %add3A_1281 = arith.constant 15 : i32
      %add3A_1282 = arith.addi %mul3A_109, %add3A_1281 : i32
      %get3A_1283 = arith.index_cast %add3A_1282 : i32 to index
      %get3A_1284 = arith.constant 16 : index
      %get3A_1285 = tpu.vector_load %arg8[%get3A_1283, %get3A_1284] {strides = array<i32>} : memref<640x128xf32, #tpu.memory_space<vmem>>, vector<1x16xf32>,
      %get3A_1286 = vector.shape_cast %get3A_1285 : vector<1x16xf32> to vector<16xf32>
      %add3A_1287 = arith.constant 15 : i32
      %add3A_1288 = arith.addi %mul3A_109, %add3A_1287 : i32
      %get3A_1289 = arith.index_cast %add3A_1288 : i32 to index
      %get3A_1290 = arith.constant 80 : index
      %get3A_1291 = tpu.vector_load %arg8[%get3A_1289, %get3A_1290] {strides = array<i32>} : memref<640x128xf32, #tpu.memory_space<vmem>>, vector<1x16xf32>,
      %get3A_1292 = vector.shape_cast %get3A_1291 : vector<1x16xf32> to vector<16xf32>
      %sub3A_1293 = arith.subf %get3A_1292, %get3A_1286 : vector<16xf32>
      %mul3A_1294 = arith.mulf %sub3A_1293, %get3A_1264 : vector<16xf32>
      %add3A_1295 = arith.addf %get3A_1286, %mul3A_1294 : vector<16xf32>
      %add3A_1296 = arith.addf %add3A_1220, %add3A_1295 : vector<16xf32>
      %add3A_1297 = arith.constant 15 : i32
      %add3A_1298 = arith.addi %mul3A_109, %add3A_1297 : i32
      %get3A_1299 = arith.index_cast %add3A_1298 : i32 to index
      %get3A_1300 = arith.constant 32 : index
      %get3A_1301 = tpu.vector_load %arg8[%get3A_1299, %get3A_1300] {strides = array<i32>} : memref<640x128xf32, #tpu.memory_space<vmem>>, vector<1x16xf32>,
      %get3A_1302 = vector.shape_cast %get3A_1301 : vector<1x16xf32> to vector<16xf32>
      %add3A_1303 = arith.constant 15 : i32
      %add3A_1304 = arith.addi %mul3A_109, %add3A_1303 : i32
      %get3A_1305 = arith.index_cast %add3A_1304 : i32 to index
      %get3A_1306 = arith.constant 96 : index
      %get3A_1307 = tpu.vector_load %arg8[%get3A_1305, %get3A_1306] {strides = array<i32>} : memref<640x128xf32, #tpu.memory_space<vmem>>, vector<1x16xf32>,
      %get3A_1308 = vector.shape_cast %get3A_1307 : vector<1x16xf32> to vector<16xf32>
      %sub3A_1309 = arith.subf %get3A_1308, %get3A_1302 : vector<16xf32>
      %mul3A_1310 = arith.mulf %sub3A_1309, %get3A_1264 : vector<16xf32>
      %add3A_1311 = arith.addf %get3A_1302, %mul3A_1310 : vector<16xf32>
      %add3A_1312 = arith.addf %add3A_1236, %add3A_1311 : vector<16xf32>
      %add3A_1313 = arith.constant 15 : i32
      %add3A_1314 = arith.addi %mul3A_109, %add3A_1313 : i32
      %get3A_1315 = arith.index_cast %add3A_1314 : i32 to index
      %get3A_1316 = arith.constant 48 : index
      %get3A_1317 = tpu.vector_load %arg8[%get3A_1315, %get3A_1316] {strides = array<i32>} : memref<640x128xf32, #tpu.memory_space<vmem>>, vector<1x16xf32>,
      %get3A_1318 = vector.shape_cast %get3A_1317 : vector<1x16xf32> to vector<16xf32>
      %add3A_1319 = arith.constant 15 : i32
      %add3A_1320 = arith.addi %mul3A_109, %add3A_1319 : i32
      %get3A_1321 = arith.index_cast %add3A_1320 : i32 to index
      %get3A_1322 = arith.constant 112 : index
      %get3A_1323 = tpu.vector_load %arg8[%get3A_1321, %get3A_1322] {strides = array<i32>} : memref<640x128xf32, #tpu.memory_space<vmem>>, vector<1x16xf32>,
      %get3A_1324 = vector.shape_cast %get3A_1323 : vector<1x16xf32> to vector<16xf32>
      %sub3A_1325 = arith.subf %get3A_1324, %get3A_1318 : vector<16xf32>
      %mul3A_1326 = arith.mulf %sub3A_1325, %get3A_1264 : vector<16xf32>
      %add3A_1327 = arith.addf %get3A_1318, %mul3A_1326 : vector<16xf32>
      %add3A_1328 = arith.addf %add3A_1252, %add3A_1327 : vector<16xf32>
      %add3A_1329 = arith.constant 16 : i32
      %add3A_1330 = arith.addi %mul3A_109, %add3A_1329 : i32
      %mul3A_1331 = arith.constant 16 : i32
      %mul3A_1332 = arith.muli %add3A_1330, %mul3A_1331 : i32
      %shift_right_arithmetic3A_1333 = arith.constant 7 : i32
      %shift_right_arithmetic3A_1334 = arith.shrsi %mul3A_1332, %shift_right_arithmetic3A_1333 : i32
      %and3A_1335 = arith.constant 127 : i32
      %and3A_1336 = arith.andi %mul3A_1332, %and3A_1335 : i32
      %get3A_1337 = arith.index_cast %shift_right_arithmetic3A_1334 : i32 to index
      %get3A_1338 = arith.index_cast %and3A_1336 : i32 to index
      %get3A_1339 = tpu.vector_load %arg7[%get3A_1337, %get3A_1338] {strides = array<i32>} : memref<80x128xf32, #tpu.memory_space<vmem>>, vector<1x16xf32>,
      %get3A_1340 = vector.shape_cast %get3A_1339 : vector<1x16xf32> to vector<16xf32>
      %add3A_1341 = arith.constant 16 : i32
      %add3A_1342 = arith.addi %mul3A_109, %add3A_1341 : i32
      %get3A_1343 = arith.index_cast %add3A_1342 : i32 to index
      %get3A_1344 = arith.constant 0 : index
      %get3A_1345 = tpu.vector_load %arg8[%get3A_1343, %get3A_1344] {strides = array<i32>} : memref<640x128xf32, #tpu.memory_space<vmem>>, vector<1x16xf32>,
      %get3A_1346 = vector.shape_cast %get3A_1345 : vector<1x16xf32> to vector<16xf32>
      %add3A_1347 = arith.constant 16 : i32
      %add3A_1348 = arith.addi %mul3A_109, %add3A_1347 : i32
      %get3A_1349 = arith.index_cast %add3A_1348 : i32 to index
      %get3A_1350 = arith.constant 64 : index
      %get3A_1351 = tpu.vector_load %arg8[%get3A_1349, %get3A_1350] {strides = array<i32>} : memref<640x128xf32, #tpu.memory_space<vmem>>, vector<1x16xf32>,
      %get3A_1352 = vector.shape_cast %get3A_1351 : vector<1x16xf32> to vector<16xf32>
      %sub3A_1353 = arith.subf %get3A_1352, %get3A_1346 : vector<16xf32>
      %mul3A_1354 = arith.mulf %sub3A_1353, %get3A_1340 : vector<16xf32>
      %add3A_1355 = arith.addf %get3A_1346, %mul3A_1354 : vector<16xf32>
      %add3A_1356 = arith.addf %add3A_1280, %add3A_1355 : vector<16xf32>
      %add3A_1357 = arith.constant 16 : i32
      %add3A_1358 = arith.addi %mul3A_109, %add3A_1357 : i32
      %get3A_1359 = arith.index_cast %add3A_1358 : i32 to index
      %get3A_1360 = arith.constant 16 : index
      %get3A_1361 = tpu.vector_load %arg8[%get3A_1359, %get3A_1360] {strides = array<i32>} : memref<640x128xf32, #tpu.memory_space<vmem>>, vector<1x16xf32>,
      %get3A_1362 = vector.shape_cast %get3A_1361 : vector<1x16xf32> to vector<16xf32>
      %add3A_1363 = arith.constant 16 : i32
      %add3A_1364 = arith.addi %mul3A_109, %add3A_1363 : i32
      %get3A_1365 = arith.index_cast %add3A_1364 : i32 to index
      %get3A_1366 = arith.constant 80 : index
      %get3A_1367 = tpu.vector_load %arg8[%get3A_1365, %get3A_1366] {strides = array<i32>} : memref<640x128xf32, #tpu.memory_space<vmem>>, vector<1x16xf32>,
      %get3A_1368 = vector.shape_cast %get3A_1367 : vector<1x16xf32> to vector<16xf32>
      %sub3A_1369 = arith.subf %get3A_1368, %get3A_1362 : vector<16xf32>
      %mul3A_1370 = arith.mulf %sub3A_1369, %get3A_1340 : vector<16xf32>
      %add3A_1371 = arith.addf %get3A_1362, %mul3A_1370 : vector<16xf32>
      %add3A_1372 = arith.addf %add3A_1296, %add3A_1371 : vector<16xf32>
      %add3A_1373 = arith.constant 16 : i32
      %add3A_1374 = arith.addi %mul3A_109, %add3A_1373 : i32
      %get3A_1375 = arith.index_cast %add3A_1374 : i32 to index
      %get3A_1376 = arith.constant 32 : index
      %get3A_1377 = tpu.vector_load %arg8[%get3A_1375, %get3A_1376] {strides = array<i32>} : memref<640x128xf32, #tpu.memory_space<vmem>>, vector<1x16xf32>,
      %get3A_1378 = vector.shape_cast %get3A_1377 : vector<1x16xf32> to vector<16xf32>
      %add3A_1379 = arith.constant 16 : i32
      %add3A_1380 = arith.addi %mul3A_109, %add3A_1379 : i32
      %get3A_1381 = arith.index_cast %add3A_1380 : i32 to index
      %get3A_1382 = arith.constant 96 : index
      %get3A_1383 = tpu.vector_load %arg8[%get3A_1381, %get3A_1382] {strides = array<i32>} : memref<640x128xf32, #tpu.memory_space<vmem>>, vector<1x16xf32>,
      %get3A_1384 = vector.shape_cast %get3A_1383 : vector<1x16xf32> to vector<16xf32>
      %sub3A_1385 = arith.subf %get3A_1384, %get3A_1378 : vector<16xf32>
      %mul3A_1386 = arith.mulf %sub3A_1385, %get3A_1340 : vector<16xf32>
      %add3A_1387 = arith.addf %get3A_1378, %mul3A_1386 : vector<16xf32>
      %add3A_1388 = arith.addf %add3A_1312, %add3A_1387 : vector<16xf32>
      %add3A_1389 = arith.constant 16 : i32
      %add3A_1390 = arith.addi %mul3A_109, %add3A_1389 : i32
      %get3A_1391 = arith.index_cast %add3A_1390 : i32 to index
      %get3A_1392 = arith.constant 48 : index
      %get3A_1393 = tpu.vector_load %arg8[%get3A_1391, %get3A_1392] {strides = array<i32>} : memref<640x128xf32, #tpu.memory_space<vmem>>, vector<1x16xf32>,
      %get3A_1394 = vector.shape_cast %get3A_1393 : vector<1x16xf32> to vector<16xf32>
      %add3A_1395 = arith.constant 16 : i32
      %add3A_1396 = arith.addi %mul3A_109, %add3A_1395 : i32
      %get3A_1397 = arith.index_cast %add3A_1396 : i32 to index
      %get3A_1398 = arith.constant 112 : index
      %get3A_1399 = tpu.vector_load %arg8[%get3A_1397, %get3A_1398] {strides = array<i32>} : memref<640x128xf32, #tpu.memory_space<vmem>>, vector<1x16xf32>,
      %get3A_1400 = vector.shape_cast %get3A_1399 : vector<1x16xf32> to vector<16xf32>
      %sub3A_1401 = arith.subf %get3A_1400, %get3A_1394 : vector<16xf32>
      %mul3A_1402 = arith.mulf %sub3A_1401, %get3A_1340 : vector<16xf32>
      %add3A_1403 = arith.addf %get3A_1394, %mul3A_1402 : vector<16xf32>
      %add3A_1404 = arith.addf %add3A_1328, %add3A_1403 : vector<16xf32>
      %add3A_1405 = arith.constant 17 : i32
      %add3A_1406 = arith.addi %mul3A_109, %add3A_1405 : i32
      %mul3A_1407 = arith.constant 16 : i32
      %mul3A_1408 = arith.muli %add3A_1406, %mul3A_1407 : i32
      %shift_right_arithmetic3A_1409 = arith.constant 7 : i32
      %shift_right_arithmetic3A_1410 = arith.shrsi %mul3A_1408, %shift_right_arithmetic3A_1409 : i32
      %and3A_1411 = arith.constant 127 : i32
      %and3A_1412 = arith.andi %mul3A_1408, %and3A_1411 : i32
      %get3A_1413 = arith.index_cast %shift_right_arithmetic3A_1410 : i32 to index
      %get3A_1414 = arith.index_cast %and3A_1412 : i32 to index
      %get3A_1415 = tpu.vector_load %arg7[%get3A_1413, %get3A_1414] {strides = array<i32>} : memref<80x128xf32, #tpu.memory_space<vmem>>, vector<1x16xf32>,
      %get3A_1416 = vector.shape_cast %get3A_1415 : vector<1x16xf32> to vector<16xf32>
      %add3A_1417 = arith.constant 17 : i32
      %add3A_1418 = arith.addi %mul3A_109, %add3A_1417 : i32
      %get3A_1419 = arith.index_cast %add3A_1418 : i32 to index
      %get3A_1420 = arith.constant 0 : index
      %get3A_1421 = tpu.vector_load %arg8[%get3A_1419, %get3A_1420] {strides = array<i32>} : memref<640x128xf32, #tpu.memory_space<vmem>>, vector<1x16xf32>,
      %get3A_1422 = vector.shape_cast %get3A_1421 : vector<1x16xf32> to vector<16xf32>
      %add3A_1423 = arith.constant 17 : i32
      %add3A_1424 = arith.addi %mul3A_109, %add3A_1423 : i32
      %get3A_1425 = arith.index_cast %add3A_1424 : i32 to index
      %get3A_1426 = arith.constant 64 : index
      %get3A_1427 = tpu.vector_load %arg8[%get3A_1425, %get3A_1426] {strides = array<i32>} : memref<640x128xf32, #tpu.memory_space<vmem>>, vector<1x16xf32>,
      %get3A_1428 = vector.shape_cast %get3A_1427 : vector<1x16xf32> to vector<16xf32>
      %sub3A_1429 = arith.subf %get3A_1428, %get3A_1422 : vector<16xf32>
      %mul3A_1430 = arith.mulf %sub3A_1429, %get3A_1416 : vector<16xf32>
      %add3A_1431 = arith.addf %get3A_1422, %mul3A_1430 : vector<16xf32>
      %add3A_1432 = arith.addf %add3A_1356, %add3A_1431 : vector<16xf32>
      %add3A_1433 = arith.constant 17 : i32
      %add3A_1434 = arith.addi %mul3A_109, %add3A_1433 : i32
      %get3A_1435 = arith.index_cast %add3A_1434 : i32 to index
      %get3A_1436 = arith.constant 16 : index
      %get3A_1437 = tpu.vector_load %arg8[%get3A_1435, %get3A_1436] {strides = array<i32>} : memref<640x128xf32, #tpu.memory_space<vmem>>, vector<1x16xf32>,
      %get3A_1438 = vector.shape_cast %get3A_1437 : vector<1x16xf32> to vector<16xf32>
      %add3A_1439 = arith.constant 17 : i32
      %add3A_1440 = arith.addi %mul3A_109, %add3A_1439 : i32
      %get3A_1441 = arith.index_cast %add3A_1440 : i32 to index
      %get3A_1442 = arith.constant 80 : index
      %get3A_1443 = tpu.vector_load %arg8[%get3A_1441, %get3A_1442] {strides = array<i32>} : memref<640x128xf32, #tpu.memory_space<vmem>>, vector<1x16xf32>,
      %get3A_1444 = vector.shape_cast %get3A_1443 : vector<1x16xf32> to vector<16xf32>
      %sub3A_1445 = arith.subf %get3A_1444, %get3A_1438 : vector<16xf32>
      %mul3A_1446 = arith.mulf %sub3A_1445, %get3A_1416 : vector<16xf32>
      %add3A_1447 = arith.addf %get3A_1438, %mul3A_1446 : vector<16xf32>
      %add3A_1448 = arith.addf %add3A_1372, %add3A_1447 : vector<16xf32>
      %add3A_1449 = arith.constant 17 : i32
      %add3A_1450 = arith.addi %mul3A_109, %add3A_1449 : i32
      %get3A_1451 = arith.index_cast %add3A_1450 : i32 to index
      %get3A_1452 = arith.constant 32 : index
      %get3A_1453 = tpu.vector_load %arg8[%get3A_1451, %get3A_1452] {strides = array<i32>} : memref<640x128xf32, #tpu.memory_space<vmem>>, vector<1x16xf32>,
      %get3A_1454 = vector.shape_cast %get3A_1453 : vector<1x16xf32> to vector<16xf32>
      %add3A_1455 = arith.constant 17 : i32
      %add3A_1456 = arith.addi %mul3A_109, %add3A_1455 : i32
      %get3A_1457 = arith.index_cast %add3A_1456 : i32 to index
      %get3A_1458 = arith.constant 96 : index
      %get3A_1459 = tpu.vector_load %arg8[%get3A_1457, %get3A_1458] {strides = array<i32>} : memref<640x128xf32, #tpu.memory_space<vmem>>, vector<1x16xf32>,
      %get3A_1460 = vector.shape_cast %get3A_1459 : vector<1x16xf32> to vector<16xf32>
      %sub3A_1461 = arith.subf %get3A_1460, %get3A_1454 : vector<16xf32>
      %mul3A_1462 = arith.mulf %sub3A_1461, %get3A_1416 : vector<16xf32>
      %add3A_1463 = arith.addf %get3A_1454, %mul3A_1462 : vector<16xf32>
      %add3A_1464 = arith.addf %add3A_1388, %add3A_1463 : vector<16xf32>
      %add3A_1465 = arith.constant 17 : i32
      %add3A_1466 = arith.addi %mul3A_109, %add3A_1465 : i32
      %get3A_1467 = arith.index_cast %add3A_1466 : i32 to index
      %get3A_1468 = arith.constant 48 : index
      %get3A_1469 = tpu.vector_load %arg8[%get3A_1467, %get3A_1468] {strides = array<i32>} : memref<640x128xf32, #tpu.memory_space<vmem>>, vector<1x16xf32>,
      %get3A_1470 = vector.shape_cast %get3A_1469 : vector<1x16xf32> to vector<16xf32>
      %add3A_1471 = arith.constant 17 : i32
      %add3A_1472 = arith.addi %mul3A_109, %add3A_1471 : i32
      %get3A_1473 = arith.index_cast %add3A_1472 : i32 to index
      %get3A_1474 = arith.constant 112 : index
      %get3A_1475 = tpu.vector_load %arg8[%get3A_1473, %get3A_1474] {strides = array<i32>} : memref<640x128xf32, #tpu.memory_space<vmem>>, vector<1x16xf32>,
      %get3A_1476 = vector.shape_cast %get3A_1475 : vector<1x16xf32> to vector<16xf32>
      %sub3A_1477 = arith.subf %get3A_1476, %get3A_1470 : vector<16xf32>
      %mul3A_1478 = arith.mulf %sub3A_1477, %get3A_1416 : vector<16xf32>
      %add3A_1479 = arith.addf %get3A_1470, %mul3A_1478 : vector<16xf32>
      %add3A_1480 = arith.addf %add3A_1404, %add3A_1479 : vector<16xf32>
      %add3A_1481 = arith.constant 18 : i32
      %add3A_1482 = arith.addi %mul3A_109, %add3A_1481 : i32
      %mul3A_1483 = arith.constant 16 : i32
      %mul3A_1484 = arith.muli %add3A_1482, %mul3A_1483 : i32
      %shift_right_arithmetic3A_1485 = arith.constant 7 : i32
      %shift_right_arithmetic3A_1486 = arith.shrsi %mul3A_1484, %shift_right_arithmetic3A_1485 : i32
      %and3A_1487 = arith.constant 127 : i32
      %and3A_1488 = arith.andi %mul3A_1484, %and3A_1487 : i32
      %get3A_1489 = arith.index_cast %shift_right_arithmetic3A_1486 : i32 to index
      %get3A_1490 = arith.index_cast %and3A_1488 : i32 to index
      %get3A_1491 = tpu.vector_load %arg7[%get3A_1489, %get3A_1490] {strides = array<i32>} : memref<80x128xf32, #tpu.memory_space<vmem>>, vector<1x16xf32>,
      %get3A_1492 = vector.shape_cast %get3A_1491 : vector<1x16xf32> to vector<16xf32>
      %add3A_1493 = arith.constant 18 : i32
      %add3A_1494 = arith.addi %mul3A_109, %add3A_1493 : i32
      %get3A_1495 = arith.index_cast %add3A_1494 : i32 to index
      %get3A_1496 = arith.constant 0 : index
      %get3A_1497 = tpu.vector_load %arg8[%get3A_1495, %get3A_1496] {strides = array<i32>} : memref<640x128xf32, #tpu.memory_space<vmem>>, vector<1x16xf32>,
      %get3A_1498 = vector.shape_cast %get3A_1497 : vector<1x16xf32> to vector<16xf32>
      %add3A_1499 = arith.constant 18 : i32
      %add3A_1500 = arith.addi %mul3A_109, %add3A_1499 : i32
      %get3A_1501 = arith.index_cast %add3A_1500 : i32 to index
      %get3A_1502 = arith.constant 64 : index
      %get3A_1503 = tpu.vector_load %arg8[%get3A_1501, %get3A_1502] {strides = array<i32>} : memref<640x128xf32, #tpu.memory_space<vmem>>, vector<1x16xf32>,
      %get3A_1504 = vector.shape_cast %get3A_1503 : vector<1x16xf32> to vector<16xf32>
      %sub3A_1505 = arith.subf %get3A_1504, %get3A_1498 : vector<16xf32>
      %mul3A_1506 = arith.mulf %sub3A_1505, %get3A_1492 : vector<16xf32>
      %add3A_1507 = arith.addf %get3A_1498, %mul3A_1506 : vector<16xf32>
      %add3A_1508 = arith.addf %add3A_1432, %add3A_1507 : vector<16xf32>
      %add3A_1509 = arith.constant 18 : i32
      %add3A_1510 = arith.addi %mul3A_109, %add3A_1509 : i32
      %get3A_1511 = arith.index_cast %add3A_1510 : i32 to index
      %get3A_1512 = arith.constant 16 : index
      %get3A_1513 = tpu.vector_load %arg8[%get3A_1511, %get3A_1512] {strides = array<i32>} : memref<640x128xf32, #tpu.memory_space<vmem>>, vector<1x16xf32>,
      %get3A_1514 = vector.shape_cast %get3A_1513 : vector<1x16xf32> to vector<16xf32>
      %add3A_1515 = arith.constant 18 : i32
      %add3A_1516 = arith.addi %mul3A_109, %add3A_1515 : i32
      %get3A_1517 = arith.index_cast %add3A_1516 : i32 to index
      %get3A_1518 = arith.constant 80 : index
      %get3A_1519 = tpu.vector_load %arg8[%get3A_1517, %get3A_1518] {strides = array<i32>} : memref<640x128xf32, #tpu.memory_space<vmem>>, vector<1x16xf32>,
      %get3A_1520 = vector.shape_cast %get3A_1519 : vector<1x16xf32> to vector<16xf32>
      %sub3A_1521 = arith.subf %get3A_1520, %get3A_1514 : vector<16xf32>
      %mul3A_1522 = arith.mulf %sub3A_1521, %get3A_1492 : vector<16xf32>
      %add3A_1523 = arith.addf %get3A_1514, %mul3A_1522 : vector<16xf32>
      %add3A_1524 = arith.addf %add3A_1448, %add3A_1523 : vector<16xf32>
      %add3A_1525 = arith.constant 18 : i32
      %add3A_1526 = arith.addi %mul3A_109, %add3A_1525 : i32
      %get3A_1527 = arith.index_cast %add3A_1526 : i32 to index
      %get3A_1528 = arith.constant 32 : index
      %get3A_1529 = tpu.vector_load %arg8[%get3A_1527, %get3A_1528] {strides = array<i32>} : memref<640x128xf32, #tpu.memory_space<vmem>>, vector<1x16xf32>,
      %get3A_1530 = vector.shape_cast %get3A_1529 : vector<1x16xf32> to vector<16xf32>
      %add3A_1531 = arith.constant 18 : i32
      %add3A_1532 = arith.addi %mul3A_109, %add3A_1531 : i32
      %get3A_1533 = arith.index_cast %add3A_1532 : i32 to index
      %get3A_1534 = arith.constant 96 : index
      %get3A_1535 = tpu.vector_load %arg8[%get3A_1533, %get3A_1534] {strides = array<i32>} : memref<640x128xf32, #tpu.memory_space<vmem>>, vector<1x16xf32>,
      %get3A_1536 = vector.shape_cast %get3A_1535 : vector<1x16xf32> to vector<16xf32>
      %sub3A_1537 = arith.subf %get3A_1536, %get3A_1530 : vector<16xf32>
      %mul3A_1538 = arith.mulf %sub3A_1537, %get3A_1492 : vector<16xf32>
      %add3A_1539 = arith.addf %get3A_1530, %mul3A_1538 : vector<16xf32>
      %add3A_1540 = arith.addf %add3A_1464, %add3A_1539 : vector<16xf32>
      %add3A_1541 = arith.constant 18 : i32
      %add3A_1542 = arith.addi %mul3A_109, %add3A_1541 : i32
      %get3A_1543 = arith.index_cast %add3A_1542 : i32 to index
      %get3A_1544 = arith.constant 48 : index
      %get3A_1545 = tpu.vector_load %arg8[%get3A_1543, %get3A_1544] {strides = array<i32>} : memref<640x128xf32, #tpu.memory_space<vmem>>, vector<1x16xf32>,
      %get3A_1546 = vector.shape_cast %get3A_1545 : vector<1x16xf32> to vector<16xf32>
      %add3A_1547 = arith.constant 18 : i32
      %add3A_1548 = arith.addi %mul3A_109, %add3A_1547 : i32
      %get3A_1549 = arith.index_cast %add3A_1548 : i32 to index
      %get3A_1550 = arith.constant 112 : index
      %get3A_1551 = tpu.vector_load %arg8[%get3A_1549, %get3A_1550] {strides = array<i32>} : memref<640x128xf32, #tpu.memory_space<vmem>>, vector<1x16xf32>,
      %get3A_1552 = vector.shape_cast %get3A_1551 : vector<1x16xf32> to vector<16xf32>
      %sub3A_1553 = arith.subf %get3A_1552, %get3A_1546 : vector<16xf32>
      %mul3A_1554 = arith.mulf %sub3A_1553, %get3A_1492 : vector<16xf32>
      %add3A_1555 = arith.addf %get3A_1546, %mul3A_1554 : vector<16xf32>
      %add3A_1556 = arith.addf %add3A_1480, %add3A_1555 : vector<16xf32>
      %add3A_1557 = arith.constant 19 : i32
      %add3A_1558 = arith.addi %mul3A_109, %add3A_1557 : i32
      %mul3A_1559 = arith.constant 16 : i32
      %mul3A_1560 = arith.muli %add3A_1558, %mul3A_1559 : i32
      %shift_right_arithmetic3A_1561 = arith.constant 7 : i32
      %shift_right_arithmetic3A_1562 = arith.shrsi %mul3A_1560, %shift_right_arithmetic3A_1561 : i32
      %and3A_1563 = arith.constant 127 : i32
      %and3A_1564 = arith.andi %mul3A_1560, %and3A_1563 : i32
      %get3A_1565 = arith.index_cast %shift_right_arithmetic3A_1562 : i32 to index
      %get3A_1566 = arith.index_cast %and3A_1564 : i32 to index
      %get3A_1567 = tpu.vector_load %arg7[%get3A_1565, %get3A_1566] {strides = array<i32>} : memref<80x128xf32, #tpu.memory_space<vmem>>, vector<1x16xf32>,
      %get3A_1568 = vector.shape_cast %get3A_1567 : vector<1x16xf32> to vector<16xf32>
      %add3A_1569 = arith.constant 19 : i32
      %add3A_1570 = arith.addi %mul3A_109, %add3A_1569 : i32
      %get3A_1571 = arith.index_cast %add3A_1570 : i32 to index
      %get3A_1572 = arith.constant 0 : index
      %get3A_1573 = tpu.vector_load %arg8[%get3A_1571, %get3A_1572] {strides = array<i32>} : memref<640x128xf32, #tpu.memory_space<vmem>>, vector<1x16xf32>,
      %get3A_1574 = vector.shape_cast %get3A_1573 : vector<1x16xf32> to vector<16xf32>
      %add3A_1575 = arith.constant 19 : i32
      %add3A_1576 = arith.addi %mul3A_109, %add3A_1575 : i32
      %get3A_1577 = arith.index_cast %add3A_1576 : i32 to index
      %get3A_1578 = arith.constant 64 : index
      %get3A_1579 = tpu.vector_load %arg8[%get3A_1577, %get3A_1578] {strides = array<i32>} : memref<640x128xf32, #tpu.memory_space<vmem>>, vector<1x16xf32>,
      %get3A_1580 = vector.shape_cast %get3A_1579 : vector<1x16xf32> to vector<16xf32>
      %sub3A_1581 = arith.subf %get3A_1580, %get3A_1574 : vector<16xf32>
      %mul3A_1582 = arith.mulf %sub3A_1581, %get3A_1568 : vector<16xf32>
      %add3A_1583 = arith.addf %get3A_1574, %mul3A_1582 : vector<16xf32>
      %add3A_1584 = arith.addf %add3A_1508, %add3A_1583 : vector<16xf32>
      %add3A_1585 = arith.constant 19 : i32
      %add3A_1586 = arith.addi %mul3A_109, %add3A_1585 : i32
      %get3A_1587 = arith.index_cast %add3A_1586 : i32 to index
      %get3A_1588 = arith.constant 16 : index
      %get3A_1589 = tpu.vector_load %arg8[%get3A_1587, %get3A_1588] {strides = array<i32>} : memref<640x128xf32, #tpu.memory_space<vmem>>, vector<1x16xf32>,
      %get3A_1590 = vector.shape_cast %get3A_1589 : vector<1x16xf32> to vector<16xf32>
      %add3A_1591 = arith.constant 19 : i32
      %add3A_1592 = arith.addi %mul3A_109, %add3A_1591 : i32
      %get3A_1593 = arith.index_cast %add3A_1592 : i32 to index
      %get3A_1594 = arith.constant 80 : index
      %get3A_1595 = tpu.vector_load %arg8[%get3A_1593, %get3A_1594] {strides = array<i32>} : memref<640x128xf32, #tpu.memory_space<vmem>>, vector<1x16xf32>,
      %get3A_1596 = vector.shape_cast %get3A_1595 : vector<1x16xf32> to vector<16xf32>
      %sub3A_1597 = arith.subf %get3A_1596, %get3A_1590 : vector<16xf32>
      %mul3A_1598 = arith.mulf %sub3A_1597, %get3A_1568 : vector<16xf32>
      %add3A_1599 = arith.addf %get3A_1590, %mul3A_1598 : vector<16xf32>
      %add3A_1600 = arith.addf %add3A_1524, %add3A_1599 : vector<16xf32>
      %add3A_1601 = arith.constant 19 : i32
      %add3A_1602 = arith.addi %mul3A_109, %add3A_1601 : i32
      %get3A_1603 = arith.index_cast %add3A_1602 : i32 to index
      %get3A_1604 = arith.constant 32 : index
      %get3A_1605 = tpu.vector_load %arg8[%get3A_1603, %get3A_1604] {strides = array<i32>} : memref<640x128xf32, #tpu.memory_space<vmem>>, vector<1x16xf32>,
      %get3A_1606 = vector.shape_cast %get3A_1605 : vector<1x16xf32> to vector<16xf32>
      %add3A_1607 = arith.constant 19 : i32
      %add3A_1608 = arith.addi %mul3A_109, %add3A_1607 : i32
      %get3A_1609 = arith.index_cast %add3A_1608 : i32 to index
      %get3A_1610 = arith.constant 96 : index
      %get3A_1611 = tpu.vector_load %arg8[%get3A_1609, %get3A_1610] {strides = array<i32>} : memref<640x128xf32, #tpu.memory_space<vmem>>, vector<1x16xf32>,
      %get3A_1612 = vector.shape_cast %get3A_1611 : vector<1x16xf32> to vector<16xf32>
      %sub3A_1613 = arith.subf %get3A_1612, %get3A_1606 : vector<16xf32>
      %mul3A_1614 = arith.mulf %sub3A_1613, %get3A_1568 : vector<16xf32>
      %add3A_1615 = arith.addf %get3A_1606, %mul3A_1614 : vector<16xf32>
      %add3A_1616 = arith.addf %add3A_1540, %add3A_1615 : vector<16xf32>
      %add3A_1617 = arith.constant 19 : i32
      %add3A_1618 = arith.addi %mul3A_109, %add3A_1617 : i32
      %get3A_1619 = arith.index_cast %add3A_1618 : i32 to index
      %get3A_1620 = arith.constant 48 : index
      %get3A_1621 = tpu.vector_load %arg8[%get3A_1619, %get3A_1620] {strides = array<i32>} : memref<640x128xf32, #tpu.memory_space<vmem>>, vector<1x16xf32>,
      %get3A_1622 = vector.shape_cast %get3A_1621 : vector<1x16xf32> to vector<16xf32>
      %add3A_1623 = arith.constant 19 : i32
      %add3A_1624 = arith.addi %mul3A_109, %add3A_1623 : i32
      %get3A_1625 = arith.index_cast %add3A_1624 : i32 to index
      %get3A_1626 = arith.constant 112 : index
      %get3A_1627 = tpu.vector_load %arg8[%get3A_1625, %get3A_1626] {strides = array<i32>} : memref<640x128xf32, #tpu.memory_space<vmem>>, vector<1x16xf32>,
      %get3A_1628 = vector.shape_cast %get3A_1627 : vector<1x16xf32> to vector<16xf32>
      %sub3A_1629 = arith.subf %get3A_1628, %get3A_1622 : vector<16xf32>
      %mul3A_1630 = arith.mulf %sub3A_1629, %get3A_1568 : vector<16xf32>
      %add3A_1631 = arith.addf %get3A_1622, %mul3A_1630 : vector<16xf32>
      %add3A_1632 = arith.addf %add3A_1556, %add3A_1631 : vector<16xf32>
      %mul3A_1633 = vector.broadcast %scan3A_99 : f32 to vector<16xf32>
      %mul3A_1634 = arith.mulf %add3A_1584, %mul3A_1633 : vector<16xf32>
      %swap3A = arith.index_cast %scan3A_107 : i32 to index
      %swap3A_1635 = arith.constant 0 : index
      %swap3A_1636 = tpu.vector_load %arg9[%swap3A, %swap3A_1635] {strides = array<i32>} : memref<32x64xf32, #tpu.memory_space<vmem>>, vector<1x16xf32>,
      %swap3A_1637 = vector.shape_cast %swap3A_1636 : vector<1x16xf32> to vector<16xf32>
      %swap3A_1638 = vector.shape_cast %mul3A_1634 : vector<16xf32> to vector<1x16xf32>
      tpu.vector_store %arg9[%swap3A, %swap3A_1635], %swap3A_1638 {strides = array<i32>} : memref<32x64xf32, #tpu.memory_space<vmem>>, vector<1x16xf32>,
      %mul3A_1639 = vector.broadcast %scan3A_99 : f32 to vector<16xf32>
      %mul3A_1640 = arith.mulf %add3A_1600, %mul3A_1639 : vector<16xf32>
      %swap3A_1641 = arith.index_cast %scan3A_107 : i32 to index
      %swap3A_1642 = arith.constant 16 : index
      %swap3A_1643 = tpu.vector_load %arg9[%swap3A_1641, %swap3A_1642] {strides = array<i32>} : memref<32x64xf32, #tpu.memory_space<vmem>>, vector<1x16xf32>,
      %swap3A_1644 = vector.shape_cast %swap3A_1643 : vector<1x16xf32> to vector<16xf32>
      %swap3A_1645 = vector.shape_cast %mul3A_1640 : vector<16xf32> to vector<1x16xf32>
      tpu.vector_store %arg9[%swap3A_1641, %swap3A_1642], %swap3A_1645 {strides = array<i32>} : memref<32x64xf32, #tpu.memory_space<vmem>>, vector<1x16xf32>,
      %mul3A_1646 = vector.broadcast %scan3A_99 : f32 to vector<16xf32>
      %mul3A_1647 = arith.mulf %add3A_1616, %mul3A_1646 : vector<16xf32>
      %swap3A_1648 = arith.index_cast %scan3A_107 : i32 to index
      %swap3A_1649 = arith.constant 32 : index
      %swap3A_1650 = tpu.vector_load %arg9[%swap3A_1648, %swap3A_1649] {strides = array<i32>} : memref<32x64xf32, #tpu.memory_space<vmem>>, vector<1x16xf32>,
      %swap3A_1651 = vector.shape_cast %swap3A_1650 : vector<1x16xf32> to vector<16xf32>
      %swap3A_1652 = vector.shape_cast %mul3A_1647 : vector<16xf32> to vector<1x16xf32>
      tpu.vector_store %arg9[%swap3A_1648, %swap3A_1649], %swap3A_1652 {strides = array<i32>} : memref<32x64xf32, #tpu.memory_space<vmem>>, vector<1x16xf32>,
      %mul3A_1653 = vector.broadcast %scan3A_99 : f32 to vector<16xf32>
      %mul3A_1654 = arith.mulf %add3A_1632, %mul3A_1653 : vector<16xf32>
      %swap3A_1655 = arith.index_cast %scan3A_107 : i32 to index
      %swap3A_1656 = arith.constant 48 : index
      %swap3A_1657 = tpu.vector_load %arg9[%swap3A_1655, %swap3A_1656] {strides = array<i32>} : memref<32x64xf32, #tpu.memory_space<vmem>>, vector<1x16xf32>,
      %swap3A_1658 = vector.shape_cast %swap3A_1657 : vector<1x16xf32> to vector<16xf32>
      %swap3A_1659 = vector.shape_cast %mul3A_1654 : vector<16xf32> to vector<1x16xf32>
      tpu.vector_store %arg9[%swap3A_1655, %swap3A_1656], %swap3A_1659 {strides = array<i32>} : memref<32x64xf32, #tpu.memory_space<vmem>>, vector<1x16xf32>,
    }
    %scan3A_104 = arith.constant 32 : i32
    %mul3A_105 = arith.constant 32 : i32
    %mul3A_106 = arith.muli %add3A, %mul3A_105 : i32
    "tpu.region"() ({
      %run_scoped3A = tpu.sem_alloc : memref<!tpu.dma_semaphore, #tpu.memory_space<semaphore_mem>>
      %dma_start3A_107 = arith.constant 0 : i32
      %dma_start3A_108 = tpu.memref_slice %arg5[%mul3A_106, %dma_start3A_107] : memref<1024x64xf32, #tpu.memory_space<hbm>> -> memref<32x64xf32, #tpu.memory_space<hbm>>
      %dma_start3A_109 = arith.constant 0 : i32
      %dma_start3A_110 = tpu.memref_slice %arg5[%mul3A_106, %dma_start3A_109] : memref<1024x64xf32, #tpu.memory_space<hbm>> -> memref<32x64xf32, #tpu.memory_space<hbm>>
      tpu.enqueue_dma source(%arg9 : memref<32x64xf32, #tpu.memory_space<vmem>>) target(%dma_start3A_110 : memref<32x64xf32, #tpu.memory_space<hbm>>) target_semaphore(%run_scoped3A : memref<!tpu.dma_semaphore, #tpu.memory_space<semaphore_mem>>)
      %dma_wait3A_111 = arith.constant 0 : i32
      %dma_wait3A_112 = tpu.memref_slice %arg5[%mul3A_106, %dma_wait3A_111] : memref<1024x64xf32, #tpu.memory_space<hbm>> -> memref<32x64xf32, #tpu.memory_space<hbm>>
      %dma_wait3A_113 = arith.constant 0 : i32
      %dma_wait3A_114 = tpu.memref_slice %arg5[%mul3A_106, %dma_wait3A_113] : memref<1024x64xf32, #tpu.memory_space<hbm>> -> memref<32x64xf32, #tpu.memory_space<hbm>>
      tpu.wait_dma2 semaphore(%run_scoped3A : memref<!tpu.dma_semaphore, #tpu.memory_space<semaphore_mem>>) src(%arg9 : memref<32x64xf32, #tpu.memory_space<vmem>>) dst(%dma_wait3A_114 : memref<32x64xf32, #tpu.memory_space<hbm>>)
      tpu.yield
    }) : () -> ()
    return
  }
}

module attributes {stable_mosaic.version = 14 : i64} {
  func.func @_relayout_body(%arg0: i32, %arg1: memref<64x2048xf32, #tpu.memory_space<vmem>>, %arg2: memref<64x2048xf32, #tpu.memory_space<vmem>>, %arg3: memref<2048x128xf32, #tpu.memory_space<vmem>>) attributes {dimension_semantics = [#tpu.dimension_semantics<arbitrary>], iteration_bounds = array<i64: 25>, scalar_prefetch = 0 : i64, scratch_operands = 0 : i64, tpu.core_type = #tpu.core_type<tc>, window_params = [{transform_indices = @transform_0, window_bounds = array<i64: 64, 2048>}, {transform_indices = @transform_1, window_bounds = array<i64: 64, 2048>}, {transform_indices = @transform_2, window_bounds = array<i64: 2048, 128>}]} {
    %iota3A = tpu.iota {dimensions = array<i32: 0>} : vector<64x64xi32>
    %iota3A_0 = tpu.iota {dimensions = array<i32: 1>} : vector<64x64xi32>
    %eq3A = arith.cmpi eq, %iota3A, %iota3A_0 : vector<64x64xi32>
    %convert_element_type3A = arith.extui %eq3A : vector<64x64xi1> to vector<64x64xi32>
    %convert_element_type3A_1 = arith.sitofp %convert_element_type3A : vector<64x64xi32> to vector<64x64xf32>
    %get3A = arith.constant 0 : index
    %get3A_2 = arith.constant 0 : index
    %get3A_3 = vector.load %arg1[%get3A, %get3A_2] : memref<64x2048xf32, #tpu.memory_space<vmem>>, vector<64x2048xf32>
    %dot_general3A = arith.constant dense<0.000000e+00> : vector<2048x64xf32>
    %dot_general3A_4 = tpu.matmul %get3A_3, %convert_element_type3A_1, %dot_general3A {dimension_numbers = #tpu.dot_dimension_numbers<[0], [0], [1], [1], [0, 1, 1, 1], [], []>, transpose_lhs_hint = false} : vector<64x2048xf32>, vector<64x64xf32>, vector<2048x64xf32> -> vector<2048x64xf32>
    %get3A_5 = arith.constant 0 : index
    %get3A_6 = arith.constant 0 : index
    %get3A_7 = vector.load %arg2[%get3A_5, %get3A_6] : memref<64x2048xf32, #tpu.memory_space<vmem>>, vector<64x2048xf32>
    %dot_general3A_8 = arith.constant dense<0.000000e+00> : vector<2048x64xf32>
    %dot_general3A_9 = tpu.matmul %get3A_7, %convert_element_type3A_1, %dot_general3A_8 {dimension_numbers = #tpu.dot_dimension_numbers<[0], [0], [1], [1], [0, 1, 1, 1], [], []>, transpose_lhs_hint = false} : vector<64x2048xf32>, vector<64x64xf32>, vector<2048x64xf32> -> vector<2048x64xf32>
    %concatenate3A = tpu.concatenate %dot_general3A_4, %dot_general3A_9 in 1 : vector<2048x64xf32>, vector<2048x64xf32> -> vector<2048x128xf32>
    %swap3A = arith.constant 0 : index
    %swap3A_10 = arith.constant 0 : index
    %swap3A_11 = vector.load %arg3[%swap3A, %swap3A_10] : memref<2048x128xf32, #tpu.memory_space<vmem>>, vector<2048x128xf32>
    tpu.vector_store %arg3[%swap3A, %swap3A_10], %concatenate3A {strides = array<i32>} : memref<2048x128xf32, #tpu.memory_space<vmem>>, vector<2048x128xf32>,
    return
  }
  func.func @transform_0(%arg0: i32) -> (i32, i32) {
    %c0_i32 = arith.constant 0 : i32
    %c0_i32_0 = arith.constant 0 : i32
    return %c0_i32, %arg0 : i32, i32
  }
  func.func @transform_1(%arg0: i32) -> (i32, i32) {
    %add3A = arith.constant 25 : i32
    %add3A_0 = arith.addi %arg0, %add3A : i32
    %min3A = arith.constant 48 : i32
    %min3A_1 = arith.minsi %add3A_0, %min3A : i32
    %c0_i32 = arith.constant 0 : i32
    %c0_i32_2 = arith.constant 0 : i32
    return %c0_i32, %min3A_1 : i32, i32
  }
  func.func @transform_2(%arg0: i32) -> (i32, i32) {
    %c0_i32 = arith.constant 0 : i32
    %c0_i32_0 = arith.constant 0 : i32
    return %arg0, %c0_i32 : i32, i32
  }
}

module attributes {stable_mosaic.version = 14 : i64} {
  func.func @_proj_body(%arg0: i32, %arg1: memref<1024x64xf32, #tpu.memory_space<vmem>>, %arg2: memref<64x2048xf32, #tpu.memory_space<vmem>>, %arg3: memref<2048xf32, #tpu.memory_space<vmem>>, %arg4: memref<2048x1024xf32, #tpu.memory_space<vmem>>) attributes {dimension_semantics = [#tpu.dimension_semantics<arbitrary>], iteration_bounds = array<i64: 49>, scalar_prefetch = 0 : i64, scratch_operands = 0 : i64, tpu.core_type = #tpu.core_type<tc>, window_params = [{pipeline_mode = #tpu.pipeline_mode<synchronous>, transform_indices = @transform_0, window_bounds = array<i64: 1024, 64>}, {transform_indices = @transform_1, window_bounds = array<i64: 64, 2048>}, {transform_indices = @transform_2, window_bounds = array<i64: 2048>}, {transform_indices = @transform_3, window_bounds = array<i64: 2048, 1024>}]} {
    %get3A = arith.constant 0 : index
    %get3A_0 = arith.constant 0 : index
    %get3A_1 = vector.load %arg2[%get3A, %get3A_0] : memref<64x2048xf32, #tpu.memory_space<vmem>>, vector<64x2048xf32>
    %get3A_2 = arith.constant 0 : index
    %get3A_3 = arith.constant 0 : index
    %get3A_4 = vector.load %arg1[%get3A_2, %get3A_3] : memref<1024x64xf32, #tpu.memory_space<vmem>>, vector<1024x64xf32>
    %dot_general3A = arith.constant dense<0.000000e+00> : vector<2048x1024xf32>
    %dot_general3A_5 = tpu.matmul %get3A_1, %get3A_4, %dot_general3A {dimension_numbers = #tpu.dot_dimension_numbers<[0], [1], [1], [0], [0, 1, 1, 0], [], []>, transpose_lhs_hint = false} : vector<64x2048xf32>, vector<1024x64xf32>, vector<2048x1024xf32> -> vector<2048x1024xf32>
    %get3A_6 = arith.constant 0 : index
    %get3A_7 = vector.load %arg3[%get3A_6] : memref<2048xf32, #tpu.memory_space<vmem>>, vector<2048xf32>
    %reshape3A = vector.shape_cast %get3A_7 : vector<2048xf32> to vector<2048x1xf32>
    %add3A = vector.broadcast %reshape3A : vector<2048x1xf32> to vector<2048x1024xf32>
    %add3A_8 = arith.addf %dot_general3A_5, %add3A : vector<2048x1024xf32>
    %swap3A = arith.constant 0 : index
    %swap3A_9 = arith.constant 0 : index
    %swap3A_10 = vector.load %arg4[%swap3A, %swap3A_9] : memref<2048x1024xf32, #tpu.memory_space<vmem>>, vector<2048x1024xf32>
    tpu.vector_store %arg4[%swap3A, %swap3A_9], %add3A_8 {strides = array<i32>} : memref<2048x1024xf32, #tpu.memory_space<vmem>>, vector<2048x1024xf32>,
    return
  }
  func.func @transform_0(%arg0: i32) -> (i32, i32) {
    %c0_i32 = arith.constant 0 : i32
    %c0_i32_0 = arith.constant 0 : i32
    %c0_i32_1 = arith.constant 0 : i32
    return %c0_i32, %c0_i32_0 : i32, i32
  }
  func.func @transform_1(%arg0: i32) -> (i32, i32) {
    %c0_i32 = arith.constant 0 : i32
    %c0_i32_0 = arith.constant 0 : i32
    return %c0_i32, %arg0 : i32, i32
  }
  func.func @transform_2(%arg0: i32) -> i32 {
    %c0_i32 = arith.constant 0 : i32
    return %arg0 : i32
  }
  func.func @transform_3(%arg0: i32) -> (i32, i32) {
    %c0_i32 = arith.constant 0 : i32
    %c0_i32_0 = arith.constant 0 : i32
    return %arg0, %c0_i32 : i32, i32
  }
}

</mosaic_0001>

<sc_bundles>
// kernel: kernel.5.cloned.1.call-start
scs
__scs_entry_jumppad:
0x0: {  	(pc) =	sbr.rel $0x88, $3  }
0x1: {  	(tag) =	ssettag $0x0;
	lr =	simm.s32 $0x1  }
0x2: {  	[smem:$0x3F9D] =	sst lr;
	_ =	strace $0xD0000000  }
0x3: {  	_ = 	snop  }
0x4: {  	_ = 	snop  }
0x5: {  	_ = 	snop  }
0x6: {  	_ = 	snop  }
0x7: {  	_ = 	snop  }
__scs_overlays_trampoline_lowered:
0x8: {  	[smem:$0x3FAC] =	sst s0  }
0x9: {  	[smem:$0x3FAD] =	sst s1  }
0xa: {  	[smem:$0x3FAE] =	sst s2  }
0xb: {  	[smem:$0x3FAF] =	sst s3  }
0xc: {  	[smem:$0x3FB0] =	sst s4  }
0xd: {  	[smem:$0x3FB1] =	sst s5  }
0xe: {  	[smem:$0x3FB2] =	sst s6  }
0xf: {  	[smem:$0x3FB3] =	sst s7  }
0x10: {  	[smem:$0x3FB4] =	sst s8  }
0x11: {  	[smem:$0x3FB5] =	sst s9;
	s0 =	simm.s32 @!p0 $0x0  }
0x12: {  	s1 =	sld [smem:$0x3F9B];
	s0 =	simm.s32 @p0 $0x1  }
0x13: {  	[smem:$0x3FB6] =	sst s0;
	s0 =	simm.s32 @!p1 $0x0  }
0x14: {  	s2 =	sld [smem:$0x3F9A];
	s0 =	simm.s32 @p1 $0x1  }
0x15: {  	[smem:$0x3FB7] =	sst s0;
	s0 =	simm.s32 @!p2 $0x0  }
0x16: {  	s3 =	sld [smem:$0x3FDB];
	s0 =	simm.s32 @p2 $0x1  }
0x17: {  	s4 =	simm.s32 $0x1BF5;
	[smem:$0x3FB9] =	sst s0  }
0x18: {  	s0 =	sld [smem:$0x3F9C];
	_ =	swait.ge [sflag:s4], $0x0  }
0x19: {  	s7 =	sld [smem:$0x3F9D]  }
0x1a: {  	s8 =	sadd.s32 $0xFFFFE003, lr  }
0x1b: {  	s9 =	sadd.s32 $0xFFFFFEF7, lr;
	s5 =	simm.s32 $0xFFFFFFFF;
	p2 =	slt.u32 s8, $0xFFFFF086  }
0x1c: {  	p1 =	slt.u32 s9, $0xF7A;
	s5 =	simm.s32 @!p2 $0x0  }
0x1d: {  	s5 =	simm.s32 @p1 $0x1;
	p0 =	seq.s32 s7, s2  }
0x1e: {  	s7 =	smul.u32 @!p0 $0xF7A, s2;
	p2 =	seq.s32 @!p0 s5, $0x0  }
0x1f: {  	s9 =	smul.u32 $0xF7A, s1;
	s8 =	simm.s32 @!p0 $0x1BF5;
	p2 =	por !p2, p0  }
0x20: {  	[sflag:s8] =	ssyncset.s32 @!p0 $0xFFFFF086;
	s6 =	sadd.s32 @!p0 s3, s7;
	s7 =	simm.s32 @!p0 $0x108  }
0x21: {  	s3 =	sadd.s32 s3, s9;
	s6 =	sadd.s32 @!p0 $0x88, s6;
	s7 =	simm.s32 @p2 $0x1082  }
0x22: {  	[simem:s7], [sflag:s8] =	dma.local @!p0 [hbm:s6], $0xF7A  }
0x23: {  	s9 =	sor.u32 $0xD0000000, s2;
	s6 =	simm.s32 $0x108;
	_ =	swait.ge @!p0 [sflag:s8], $0x0  }
0x24: {  	s3 =	sadd.s32 $0x88, s3;
	s6 =	simm.s32 @!p1 $0x1082;
	[sflag:s4] =	ssyncset.s32 $0xFFFFF086  }
0x25: {  	[simem:s6], [sflag:s4] =	dma.local [hbm:s3], $0xF7A  }
0x26: {  	[smem:$0x3F9D] =	sst s1;
	(tag) =	ssettag s2;
	_ =	strace s9  }
0x27: {  	s1 =	sld [smem:$0x3FAD]  }
0x28: {  	s2 =	sld [smem:$0x3FAE]  }
0x29: {  	s4 =	sld [smem:$0x3FB0]  }
0x2a: {  	p0 =	seq.s32 s5, $0x0;
	s5 =	sld [smem:$0x3FB1]  }
0x2b: {  	s6 =	sld [smem:$0x3FB2]  }
0x2c: {  	s7 =	sld [smem:$0x3FB3]  }
0x2d: {  	s3 =	simm.s32 $0x108;
	s8 =	sld [smem:$0x3FB4]  }
0x2e: {  	s3 =	simm.s32 @!p0 $0x1082;
	s9 =	sld [smem:$0x3FB5]  }
0x2f: {  	lr =	sadd.s32 s0, s3;
	s0 =	sld [smem:$0x3FAC]  }
0x30: {  	s3 =	sld [smem:$0x3FAF]  }
0x31: {  	[smem:$0x3FB8] =	sst s10  }
0x32: {  	s10 =	sld [smem:$0x3FB6];
	_ =	sdelay $0x3  }
0x33: {  	p0 =	seq.s32 s10, $0x1;
	s10 =	sld [smem:$0x3FB8];
	_ =	sdelay $0x3  }
0x34: {  	[smem:$0x3FB8] =	sst s10  }
0x35: {  	s10 =	sld [smem:$0x3FB7];
	_ =	sdelay $0x3  }
0x36: {  	p1 =	seq.s32 s10, $0x1;
	s10 =	sld [smem:$0x3FB8];
	_ =	sdelay $0x3  }
0x37: {  	[smem:$0x3FB8] =	sst s10  }
0x38: {  	s10 =	sld [smem:$0x3FB9]  }
0x39: {  	_ = 	snop;
	(pc) =	sbr.ind lr, $3  }
0x3a: {  	_ = 	snop  }
0x3b: {  	_ = 	snop  }
0x3c: {  	p2 =	seq.s32 s10, $0x1;
	s10 =	sld [smem:$0x3FB8]  }
0x3d: {  	_ =	shalt  }
0x3e: {  	_ =	shalt  }
0x3f: {  	_ =	shalt  }
0x40: {  	_ =	shalt  }
0x41: {  	_ =	shalt  }
0x42: {  	_ =	shalt  }
0x43: {  	_ =	shalt  }
0x44: {  	_ =	shalt  }
0x45: {  	_ =	shalt  }
0x46: {  	_ =	shalt  }
0x47: {  	_ =	shalt  }
0x48: {  	_ =	shalt  }
0x49: {  	_ =	shalt  }
0x4a: {  	_ =	shalt  }
0x4b: {  	_ =	shalt  }
0x4c: {  	_ =	shalt  }
0x4d: {  	_ =	shalt  }
0x4e: {  	_ =	shalt  }
0x4f: {  	_ =	shalt  }
0x50: {  	_ =	shalt  }
0x51: {  	_ =	shalt  }
0x52: {  	_ =	shalt  }
0x53: {  	_ =	shalt  }
0x54: {  	_ =	shalt  }
0x55: {  	_ =	shalt  }
0x56: {  	_ =	shalt  }
0x57: {  	_ =	shalt  }
0x58: {  	_ =	shalt  }
0x59: {  	_ =	shalt  }
0x5a: {  	_ =	shalt  }
0x5b: {  	_ =	shalt  }
0x5c: {  	_ =	shalt  }
0x5d: {  	_ =	shalt  }
0x5e: {  	_ =	shalt  }
0x5f: {  	_ =	shalt  }
0x60: {  	_ =	shalt  }
0x61: {  	_ =	shalt  }
0x62: {  	_ =	shalt  }
0x63: {  	_ =	shalt  }
0x64: {  	_ =	shalt  }
0x65: {  	_ =	shalt  }
0x66: {  	_ =	shalt  }
0x67: {  	_ =	shalt  }
0x68: {  	_ =	shalt  }
0x69: {  	_ =	shalt  }
0x6a: {  	_ =	shalt  }
0x6b: {  	_ =	shalt  }
0x6c: {  	_ =	shalt  }
0x6d: {  	_ =	shalt  }
0x6e: {  	_ =	shalt  }
0x6f: {  	_ =	shalt  }
0x70: {  	_ =	shalt  }
0x71: {  	_ =	shalt  }
0x72: {  	_ =	shalt  }
0x73: {  	_ =	shalt  }
0x74: {  	_ =	shalt  }
0x75: {  	_ =	shalt  }
0x76: {  	_ =	shalt  }
0x77: {  	_ =	shalt  }
0x78: {  	_ =	shalt  }
0x79: {  	_ =	shalt  }
0x7a: {  	_ =	shalt  }
0x7b: {  	_ =	shalt  }
0x7c: {  	_ =	shalt  }
0x7d: {  	_ =	shalt  }
0x7e: {  	_ =	shalt  }
0x7f: {  	_ =	shalt  }
0x80: {  	_ =	shalt  }
0x81: {  	_ =	shalt  }
0x82: {  	_ =	shalt  }
0x83: {  	_ =	shalt  }
0x84: {  	_ =	shalt  }
0x85: {  	_ =	shalt  }
0x86: {  	_ =	shalt  }
0x87: {  	_ =	shalt  }
.Lfunc_end0:
.L_simem_size_0:
called_computation_lowered:
.L_overlay_start_0:
0x88: {  	s2 =	sld [smem:$0x3FD9]  }
0x89: {  	s3 =	sld [smem:$0x3FFE];
	_ =	sdelay $0x1  }
0x8a: {  	s1 =	srdreg.scid  }
0x8b: {  	s0 =	sand.u32 $0x1, s1  }
0x8c: {  	s17 =	sshll.u32 s0, $0xA;
	s2 =	sadd.s32 s3, s2  }
0x8d: {  	s2 =	sadd.s32 s2, s17  }
0x8e: {  	[smem:$0x3FC4] =	sst s2  }
0x8f: {  	_ = 	snop  }
0x90: {  	s2 =	sld [smem:$0x3FD0];
	(tm) =	ssettm $0x1  }
0x91: {  	s18 =	sld [smem:$0x3FFB];
	_ =	sdelay $0x3  }
0x92: {  	_ =	strace s18  }
0x93: {  	s3 =	sld [smem:$0x3FFC];
	_ =	sdelay $0x3  }
0x94: {  	_ =	strace s3  }
0x95: {  	s3 =	sld [smem:$0x3FFD];
	_ =	sdelay $0x3  }
0x96: {  	_ =	strace s3  }
0x97: {  	_ =	strace $0x8FFFFFFF  }
0x98: {  	s19 =	sld [smem:$0x3FDB];
	_ =	sdelay $0x1  }
0x99: {  	s4 =	simm.s32 $_scs_section_size  }
0x9a: {  	s5 =	simm.s32 $_size__tile_overlayer_lowered;
	s6 =	simm.s32 $_tile_overlayer_lowered  }
0x9b: {  	s22 =	simm.s32 $0x1BFF;
	s21 =	sshll.u32 s6, $0x1;
	s3 =	sadd.s32 s4, s19  }
0x9c: {  	s7 =	simm.s32 $0x0;
	s20 =	sshll.u32 s5, $0x1;
	s5 =	sadd.s32 s21, s3  }
0x9d: {  	[timem:s7], [sflag:s22] =	dma.local [hbm:s5], s20  }
0x9e: {  	_ =	swait.ge [sflag:s22], s20  }
0x9f: {  	s4 =	ssub.s32 $0x0, s20;
	[sflag:s22] =	ssyncset.done $0x0  }
0xa0: {  	[sflag:s22] =	ssyncadd.s32 s4;
	_ =	sdelay $0x1  }
0xa1: {  	s23 =	simm.s32 $0x1B8B  }
0xa2: {  	_ =	swait.ge [sflag:s23], $0x1  }
0xa3: {  	[sflag:s23] =	ssyncset.done $0x0  }
0xa4: {  	s25 =	simm.s32 $0x1B8E;
	s24 =	sld [smem:$0x3FFE];
	[sflag:s23] =	ssyncadd.s32 $0xFFFFFFFF  }
0xa5: {  	s26 =	simm.s32 $execute0_lowered;
	[smem:$0x3FD2] =	sst s25  }
0xa6: {  	s5 =	sshll.u32 s26, $0x1;
	_ =	strace $0x80000046;
	[dreg:$0x1] =	wrdreg $0xFFFFFFFF  }
0xa7: {  	s28 =	simm.s32 $_size_execute0_lowered;
	s3 =	sadd.s32 s3, s5;
	[dreg:$0x0] =	wrdreg $0x0  }
0xa8: {  	s5 =	sshll.u32 s28, $0x1;
	[dreg:$0x2] =	wrdreg s3  }
0xa9: {  	[dreg:$0x3] =	wrdreg s5  }
0xaa: {  	[dreg:$0x4] =	wrdreg $0xC0  }
0xab: {  	_ =	task [dreg:s7], $0x5FFFF  }
0xac: {  	[dreg:$0x1] =	wrdreg $0xFFFFFFFF  }
0xad: {  	[dreg:$0x0] =	wrdreg $0x60  }
0xae: {  	[dreg:$0x2] =	wrdreg s24  }
0xaf: {  	[dreg:$0x3] =	wrdreg s2  }
0xb0: {  	[dreg:$0x4] =	wrdreg $0x9  }
0xb1: {  	_ =	task.clear_ibuf [dreg:s7], $0x5FFFF;
	_ =	strace $0x90000046  }
0xb2: {  	s29 =	simm.s32 $0x9;
	_ =	strace $0x80000048  }
0xb3: {  	_ =	swait.ge [sflag:s29], $0x1  }
0xb4: {  	[sflag:s29] =	ssyncadd.s32 $0xFFFFFFFF  }
0xb5: {  	_ =	strace $0x90000048  }
0xb6: {  	_ =	sfence  }
0xb7: {  	s30 =	sld [smem:$0x0];
	_ =	sdelay $0x2  }
0xb8: {  	s31 =	sshll.u32 s1, $0xD;
	s1 =	sshrl.u32 s1, $0x2  }
0xb9: {  	s3 =	sand.u32 $0x4000, s31;
	s1 =	sadd.s32 s1, s30  }
0xba: {  	s0 =	sor.u32 s3, s0;
	s1 =	sshll.u32 s1, $0x11  }
0xbb: {  	s0 =	sor.u32 s1, s0  }
0xbc: {  	s0 =	sadd.s32 $0x8F2B, s0  }
0xbd: {  	[sflag:s0] =	ssyncadd.remote.s32 $0x1  }
0xbe: {  	_ =	sfence.sel $0xFFFF  }
0xbf: {  	[dreg:$0x0] =	wrdreg $0xFFFFFFFF;
	(pc) =	sbr.abs _section_cstart, $3  }
0xc0: {  	[dreg:$0x1] =	wrdreg $0xFFFFFFFF  }
0xc1: {  	_ =	task.clear_ibuf [dreg:s7], $0x2FFFF;
	_ =	strace $0x9FFFFFFF  }
0xc2: {  	(tm) =	ssettm $0x7FFFFFFF  }
0xc3: {  	_ =	shalt  }
tec
execute0_lowered:
.L_overlay_start_1:
0x0: {  	(tag) =	ssettag $0x1  }
0x1: {  	s4 =	rddreg [dreg:$0x0]  }
0x2: {  	s2 =	rddreg [dreg:$0x1]  }
0x3: {  	s0 =	rddreg [dreg:$0x2];
	s3 =	simm.s32 $0x0;
	s5 =	srdreg.scid  }
0x4: {  	s1 =	stileid.u32;
	s10 =	simm.s32 $0x80;
	s11 =	simm.s32 $0x2C00  }
0x5: {  	s12 =	simm.s32 $0x6C00;
	s13 =	simm.s32 $0x100;
	s14 =	simm.s32 $0xAC00  }
0x6: {  	s15 =	simm.s32 $0x180;
	s16 =	simm.s32 $0xEC00;
	s17 =	simm.s32 $0x200  }
0x7: {  	s18 =	simm.s32 $0x12C00;
	s19 =	simm.s32 $0x1;
	s20 =	simm.s32 $0x16C00  }
0x8: {  	[smem:$0x7FF] =	sst s3;
	s5 =	sand.u32 $0x1, s5;
	s6 =	sshll.u32 s1, $0x1  }
0x9: {  	s21 =	simm.s32 $0x0;
	_ =	strace $0x80000047;
	s6 =	sor.u32 s5, s6  }
0xa: {  	s5 =	ssub.s32 $0x2, s5;
	s7 =	sshll.u32 s6, $0x7;
	s8 =	smul.u32 $0x500, s6  }
0xb: {  	s6 =	sshll.u32 s6, $0x9;
	s9 =	sshrl.u32 s5, $0x1;
	s7 =	sadd.s32 s7, s4  }
0xc: {  	s6 =	sadd.s32 s6, s4;
	s9 =	ssub.s32 s5, s9;
	s8 =	sadd.s32 s8, s4  }
0xd: {  	s4 =	sadd.s32 $0x800, s7;
	s6 =	sadd.s32 $0xB800, s6;
	s7 =	smax.u32 s9, $0x1  }
0xe: {  	s9 =	simm.s32 $0x400;
	s5 =	sadd.s32 $0x1800, s8;
	s8 =	simm.s32 $0x2  }
.LBB2_1:
0xf: {  	[tilespmem:s3], [sflag:$0x2] =	stream.linear.gather [hbm4b:s4+s3], $0x280, $0x38;
	[tilespmem:$0x17C00] =	vst v63  }
0x10: {  	_ =	swait.ge [sflag:s8], $0x280  }
0x11: {  	[sflag:s8] =	ssyncset.done $0x0  }
0x12: {  	[sflag:s8] =	ssyncadd.s32 $0xFFFFFD80  }
0x13: {  	[tilespmem:s9], [sflag:$0x2] =	stream.linear.gather [hbm4b:s5+s3], $0x2800, $0x38;
	[tilespmem:$0x17C00] =	vst v63  }
0x14: {  	_ =	swait.ge [sflag:s8], $0x2800  }
0x15: {  	[sflag:s8] =	ssyncset.done $0x0  }
0x16: {  	[sflag:s8] =	ssyncadd.s32 $0xFFFFD800  }
0x17: {  	[tilespmem:s11], [sflag:$0x1] =	stream.indirect.gather [hbm4b:s2+s10], $0x80, s3, s10, $0xb8;
	[tilespmem:$0x17C00] =	vst v63  }
0x18: {  	_ = 	snop  }
0x19: {  	[tilespmem:s12], [sflag:$0x1] =	stream.indirect.gather [hbm4b:s2+s10], $0x80, s10, s10, $0xb8;
	[tilespmem:$0x17C00] =	vst v63  }
0x1a: {  	_ = 	snop  }
0x1b: {  	[tilespmem:s14], [sflag:$0x1] =	stream.indirect.gather [hbm4b:s2+s10], $0x80, s13, s10, $0xb8;
	[tilespmem:$0x17C00] =	vst v63  }
0x1c: {  	_ = 	snop  }
0x1d: {  	[tilespmem:s16], [sflag:$0x1] =	stream.indirect.gather [hbm4b:s2+s10], $0x80, s15, s10, $0xb8;
	[tilespmem:$0x17C00] =	vst v63  }
0x1e: {  	_ = 	snop  }
0x1f: {  	[tilespmem:s18], [sflag:$0x1] =	stream.indirect.gather [hbm4b:s2+s10], $0x80, s17, s10, $0xb8;
	[tilespmem:$0x17C00] =	vst v63  }
0x20: {  	_ =	swait.ge [sflag:s19], $0x4000  }
0x21: {  	[sflag:s19] =	ssyncset.done $0x0  }
0x22: {  	[sflag:s19] =	ssyncadd.s32 $0xFFFFC000  }
0x23: {  	_ =	swait.ge [sflag:s19], $0x4000  }
0x24: {  	[sflag:s19] =	ssyncset.done $0x0  }
0x25: {  	[sflag:s19] =	ssyncadd.s32 $0xFFFFC000  }
0x26: {  	_ =	swait.ge [sflag:s19], $0x4000  }
0x27: {  	[sflag:s19] =	ssyncset.done $0x0  }
0x28: {  	[sflag:s19] =	ssyncadd.s32 $0xFFFFC000  }
0x29: {  	_ =	swait.ge [sflag:s19], $0x4000  }
0x2a: {  	[sflag:s19] =	ssyncset.done $0x0  }
0x2b: {  	[sflag:s19] =	ssyncadd.s32 $0xFFFFC000  }
0x2c: {  	_ =	swait.ge [sflag:s19], $0x4000  }
0x2d: {  	s22 =	simm.s32 $0x4A0;
	[sflag:s19] =	ssyncset.done $0x0  }
0x2e: {  	s23 =	simm.s32 $0x3100;
	s24 =	simm.s32 $0x0;
	[sflag:s19] =	ssyncadd.s32 $0xFFFFC000  }
.LBB2_2:
0x2f: {  	v4 =	vld [tilespmem:s22+$0xFFFFFF60]  }
0x30: {  	v6 =	vld [tilespmem:s23+$0xFFFFFB00]  }
0x31: {  	v0 =	vld [tilespmem:s23+$0xFFFFFB40]  }
0x32: {  	v9 =	vld [tilespmem:s23+$0xFFFFFB10]  }
0x33: {  	v1 =	vld [tilespmem:s23+$0xFFFFFB50]  }
0x34: {  	v10 =	vld [tilespmem:s23+$0xFFFFFB20]  }
0x35: {  	v11 =	vld [tilespmem:s23+$0xFFFFFB60]  }
0x36: {  	v14 =	vld [tilespmem:s23+$0xFFFFFB30]  }
0x37: {  	v15 =	vld [tilespmem:s23+$0xFFFFFB70]  }
0x38: {  	v16 =	vld [tilespmem:s22+$0xFFFFFF70]  }
0x39: {  	v19 =	vld [tilespmem:s23+$0xFFFFFB80]  }
0x3a: {  	v18 =	vld [tilespmem:s23+$0xFFFFFBC0]  }
0x3b: {  	v22 =	vld [tilespmem:s23+$0xFFFFFB90]  }
0x3c: {  	v23 =	vld [tilespmem:s23+$0xFFFFFBD0]  }
0x3d: {  	v26 =	vld [tilespmem:s23+$0xFFFFFBA0]  }
0x3e: {  	v28 =	vld [tilespmem:s23+$0xFFFFFBE0]  }
0x3f: {  	v33 =	vld [tilespmem:s23+$0xFFFFFBB0]  }
0x40: {  	v32 =	vld [tilespmem:s23+$0xFFFFFBF0]  }
0x41: {  	v40 =	vld [tilespmem:s22+$0xFFFFFF80]  }
0x42: {  	v41 =	vld [tilespmem:s23+$0xFFFFFC00]  }
0x43: {  	v37 =	vld [tilespmem:s23+$0xFFFFFC40]  }
0x44: {  	v42 =	vld [tilespmem:s23+$0xFFFFFC10]  }
0x45: {  	v39 =	vld [tilespmem:s23+$0xFFFFFC50]  }
0x46: {  	v43 =	vld [tilespmem:s23+$0xFFFFFC20]  }
0x47: {  	v44 =	vld [tilespmem:s23+$0xFFFFFC60]  }
0x48: {  	v45 =	vld [tilespmem:s23+$0xFFFFFC30]  }
0x49: {  	v46 =	vld [tilespmem:s23+$0xFFFFFC70]  }
0x4a: {  	v47 =	vld [tilespmem:s22+$0xFFFFFF90]  }
0x4b: {  	v48 =	vld [tilespmem:s23+$0xFFFFFC80]  }
0x4c: {  	v49 =	vld [tilespmem:s23+$0xFFFFFCC0]  }
0x4d: {  	v50 =	vld [tilespmem:s23+$0xFFFFFC90]  }
0x4e: {  	v51 =	vld [tilespmem:s23+$0xFFFFFCD0]  }
0x4f: {  	v52 =	vld [tilespmem:s23+$0xFFFFFCA0]  }
0x50: {  	v53 =	vld [tilespmem:s23+$0xFFFFFCE0]  }
0x51: {  	v54 =	vld [tilespmem:s23+$0xFFFFFCB0]  }
0x52: {  	v55 =	vld [tilespmem:s23+$0xFFFFFCF0]  }
0x53: {  	v34 =	vld [tilespmem:s22+$0xFFFFFFA0]  }
0x54: {  	v56 =	vld [tilespmem:s23+$0xFFFFFD00]  }
0x55: {  	v57 =	vld [tilespmem:s23+$0xFFFFFD40]  }
0x56: {  	v58 =	vld [tilespmem:s23+$0xFFFFFD10]  }
0x57: {  	v59 =	vld [tilespmem:s23+$0xFFFFFD50]  }
0x58: {  	v30 =	vld [tilespmem:s23+$0xFFFFFD20]  }
0x59: {  	v60 =	vld [tilespmem:s23+$0xFFFFFD60]  }
0x5a: {  	v35 =	vld [tilespmem:s23+$0xFFFFFD30]  }
0x5b: {  	v61 =	vld [tilespmem:s23+$0xFFFFFD70]  }
0x5c: {  	v7 =	vld [tilespmem:s22+$0xFFFFFFB0]  }
0x5d: {  	v38 =	vld [tilespmem:s23+$0xFFFFFD80]  }
0x5e: {  	v62 =	vld [tilespmem:s23+$0xFFFFFDC0]  }
0x5f: {  	v24 =	vld [tilespmem:s23+$0xFFFFFD90]  }
0x60: {  	v63 =	vld [tilespmem:s23+$0xFFFFFDD0]  }
0x61: {  	v20 =	vld [tilespmem:s23+$0xFFFFFDA0]  }
0x62: {  	v21 =	vld [tilespmem:s23+$0xFFFFFDE0]  }
0x63: {  	v8 =	vld [tilespmem:s23+$0xFFFFFDB0]  }
0x64: {  	v27 =	vld [tilespmem:s23+$0xFFFFFDF0]  }
0x65: {  	v2 =	vld [tilespmem:s22+$0xFFFFFFC0]  }
0x66: {  	v12 =	vld [tilespmem:s23+$0xFFFFFE00]  }
0x67: {  	v31 =	vld [tilespmem:s23+$0xFFFFFE40]  }
0x68: {  	v3 =	vld [tilespmem:s23+$0xFFFFFE60]  }
0x69: {  	v13 =	vld [tilespmem:s23+$0xFFFFFE10]  }
0x6a: {  	v17 =	vld [tilespmem:s23+$0xFFFFFE70]  }
0x6b: {  	v29 =	vld [tilespmem:s23+$0xFFFFFE50]  }
0x6c: {  	v5 =	vld [tilespmem:s23+$0xFFFFFE20]  }
0x6d: {  	[tilespmem:$0x1FFE0] =	vst v3;
	v3 =	vld [tilespmem:s23+$0xFFFFFE30];
	v25 =	vsub.f32 v0, v6  }
0x6e: {  	v36 =	vsub.f32 v1, v9;
	v11 =	vsub.f32 v11, v10;
	v1 =	vld [tilespmem:s22+$0xFFFFFFD0]  }
0x6f: {  	[tilespmem:$0x1FFF0] =	vst v17;
	v15 =	vsub.f32 v15, v14;
	v17 =	vld [tilespmem:s23+$0xFFFFFE80];
	v21 =	vsub.f32 v21, v20;
	v25 =	vmul.f32 v25, v4  }
0x70: {  	v0 =	vsub.f32 v18, v19;
	v18 =	vld [tilespmem:s23+$0xFFFFFEC0];
	v36 =	vmul.f32 v36, v4;
	v11 =	vmul.f32 v11, v4  }
0x71: {  	v4 =	vmul.f32 v15, v4;
	v21 =	vmul.f32 v21, v7;
	v25 =	vadd.f32 v25, v6;
	v6 =	vld [tilespmem:s23+$0xFFFFFE90]  }
0x72: {  	v15 =	vsub.f32 v23, v22;
	v9 =	vadd.f32 v36, v9;
	v36 =	vmul.f32 v0, v16;
	v0 =	vld [tilespmem:s23+$0xFFFFFED0]  }
0x73: {  	v10 =	vadd.f32 v11, v10;
	v21 =	vadd.f32 v21, v20;
	v20 =	vld [tilespmem:s22+$0x10]  }
0x74: {  	v23 =	vadd.f32 $0.0e+00, v25;
	v25 =	vadd.f32 v4, v14;
	v14 =	vld [tilespmem:s23+$0xFFFFFEA0]  }
0x75: {  	v18 =	vsub.f32 v18, v17;
	v4 =	vmul.f32 v15, v16;
	v11 =	vadd.f32 v36, v19;
	v36 =	vld [tilespmem:s23+$0xFFFFFEE0]  }
0x76: {  	v15 =	vsub.f32 v28, v26;
	v28 =	vadd.f32 $0.0e+00, v9;
	v9 =	vld [tilespmem:s23+$0xFFFFFEB0]  }
0x77: {  	v18 =	vmul.f32 v18, v1;
	v4 =	vadd.f32 v4, v22;
	v22 =	vsub.f32 v32, v33;
	v32 =	vld [tilespmem:s23+$0xFFFFFEF0]  }
0x78: {  	v19 =	vadd.f32 $0.0e+00, v25;
	v25 =	vsub.f32 v39, v42;
	v39 =	vld [tilespmem:s23+$0xFFFFFF40]  }
0x79: {  	v46 =	vsub.f32 v46, v45;
	v17 =	vadd.f32 v18, v17;
	v18 =	vld [tilespmem:s23+$0x160]  }
0x7a: {  	v11 =	vadd.f32 v11, v23;
	v15 =	vmul.f32 v15, v16;
	v28 =	vadd.f32 v4, v28;
	v4 =	vld [tilespmem:s22+$0xFFFFFFE0]  }
0x7b: {  	v23 =	vadd.f32 $0.0e+00, v10;
	v0 =	vsub.f32 v0, v6;
	v10 =	vmul.f32 v22, v16;
	v16 =	vld [tilespmem:s23+$0xFFFFFF00]  }
0x7c: {  	v15 =	vadd.f32 v15, v26;
	v22 =	vsub.f32 v37, v41;
	v37 =	vld [tilespmem:s23+$0xFFFFFF50]  }
0x7d: {  	v51 =	vsub.f32 v51, v50;
	v0 =	vmul.f32 v0, v1;
	v26 =	vadd.f32 v10, v33;
	v10 =	vld [tilespmem:s23+$0xFFFFFF10]  }
0x7e: {  	v33 =	vsub.f32 v44, v43;
	v15 =	vadd.f32 v15, v23;
	v23 =	vld [tilespmem:s23+$0xFFFFFF30]  }
0x7f: {  	v22 =	vmul.f32 v22, v40;
	v44 =	vmul.f32 v25, v40;
	v0 =	vadd.f32 v0, v6;
	v6 =	vld [tilespmem:s23+$0x140]  }
0x80: {  	v55 =	vsub.f32 v55, v54;
	v25 =	vadd.f32 v26, v19;
	v26 =	vmul.f32 v33, v40;
	v19 =	vld [tilespmem:s23+$0xFFFFFF20]  }
0x81: {  	v22 =	vadd.f32 v22, v41;
	v41 =	vadd.f32 v44, v42;
	v42 =	vld [tilespmem:s23+$0xFFFFFF60]  }
0x82: {  	v33 =	vmul.f32 v46, v40;
	v46 =	vsub.f32 v49, v48;
	v26 =	vadd.f32 v26, v43;
	v43 =	vld [tilespmem:s23+$0xFFFFFF70]  }
0x83: {  	v53 =	vsub.f32 v53, v52;
	v40 =	vmul.f32 v51, v47;
	v22 =	vadd.f32 v22, v11;
	v11 =	vld [tilespmem:s22+$0xFFFFFFF0]  }
0x84: {  	v51 =	vmul.f32 v55, v47;
	v49 =	vmul.f32 v46, v47;
	v46 =	vld [tilespmem:s23+$0xFFFFFFC0]  }
0x85: {  	v44 =	vmul.f32 v53, v47;
	v47 =	vld [tilespmem:s23+$0xFFFFFFD0]  }
0x86: {  	v31 =	vsub.f32 v31, v12;
	v55 =	vadd.f32 v51, v54;
	v51 =	vld [tilespmem:s23+$0xFFFFFFE0]  }
0x87: {  	v53 =	vsub.f32 v57, v56;
	v57 =	vsub.f32 v59, v58;
	v54 =	vld [tilespmem:s23+$0x0]  }
0x88: {  	v41 =	vadd.f32 v41, v28;
	v40 =	vadd.f32 v40, v50;
	v50 =	vld [tilespmem:s23+$0x40]  }
0x89: {  	v28 =	vadd.f32 v33, v45;
	v45 =	vmul.f32 v53, v34;
	v59 =	vmul.f32 v57, v34;
	v53 =	vld [tilespmem:s23+$0x10]  }
0x8a: {  	v57 =	vsub.f32 v61, v35;
	v61 =	vsub.f32 v63, v24;
	v63 =	vmul.f32 v31, v2;
	v31 =	vld [tilespmem:s23+$0x80]  }
0x8b: {  	v15 =	vadd.f32 v26, v15;
	v26 =	vld [tilespmem:s23+$0xFFFFFF80]  }
0x8c: {  	v25 =	vadd.f32 v28, v25;
	v28 =	vld [tilespmem:s23+$0xFFFFFF90]  }
0x8d: {  	v33 =	vadd.f32 v49, v48;
	v49 =	vld [tilespmem:s23+$0xFFFFFFF0]  }
0x8e: {  	v44 =	vadd.f32 v44, v52;
	v52 =	vadd.f32 v63, v12;
	v12 =	vld [tilespmem:s23+$0x90]  }
0x8f: {  	v60 =	vsub.f32 v60, v30;
	v48 =	vadd.f32 v33, v22;
	v22 =	vld [tilespmem:s23+$0xFFFFFFA0]  }
0x90: {  	v29 =	vsub.f32 v29, v13;
	v40 =	vadd.f32 v40, v41;
	v33 =	vld [tilespmem:s23+$0xFFFFFFB0]  }
0x91: {  	v41 =	vadd.f32 v44, v15;
	v44 =	vadd.f32 v45, v56;
	v15 =	vld [tilespmem:s22+$0x0]  }
0x92: {  	v45 =	vadd.f32 v59, v58;
	v59 =	vmul.f32 v60, v34;
	v34 =	vmul.f32 v57, v34;
	v56 =	vld [tilespmem:$0x1FFF0]  }
0x93: {  	v27 =	vsub.f32 v27, v8;
	v29 =	vmul.f32 v29, v2;
	v57 =	vsub.f32 v36, v14;
	v36 =	vld [tilespmem:s23+$0x130]  }
0x94: {  	v58 =	vsub.f32 v62, v38;
	v34 =	vadd.f32 v34, v35;
	v35 =	vld [tilespmem:s23+$0x50]  }
0x95: {  	v13 =	vadd.f32 v29, v13;
	v62 =	vmul.f32 v61, v7;
	v44 =	vadd.f32 v44, v48;
	v48 =	vld [tilespmem:s23+$0x20]  }
0x96: {  	v25 =	vadd.f32 v55, v25;
	v40 =	vadd.f32 v45, v40;
	v60 =	vmul.f32 v58, v7;
	v45 =	vld [tilespmem:$0x1FFE0]  }
0x97: {  	v30 =	vadd.f32 v59, v30;
	v24 =	vadd.f32 v62, v24;
	v7 =	vmul.f32 v27, v7;
	v27 =	vld [tilespmem:s23+$0xB0]  }
0x98: {  	v58 =	vsub.f32 v32, v9;
	v32 =	vld [tilespmem:s23+$0x100];
	v59 =	vsub.f32 v39, v16  }
0x99: {  	v62 =	vsub.f32 v42, v19;
	v25 =	vadd.f32 v34, v25;
	v34 =	vld [tilespmem:s23+$0x60]  }
0x9a: {  	v42 =	vsub.f32 v47, v28;
	v30 =	vadd.f32 v30, v41;
	v41 =	vld [tilespmem:s23+$0x30]  }
0x9b: {  	v39 =	vsub.f32 v46, v26;
	v24 =	vadd.f32 v24, v40;
	v40 =	vld [tilespmem:s23+$0xC0]  }
0x9c: {  	v38 =	vadd.f32 v60, v38;
	v7 =	vadd.f32 v7, v8;
	v46 =	vmul.f32 v42, v11;
	v42 =	vld [tilespmem:s23+$0x260]  }
0x9d: {  	v47 =	vsub.f32 v51, v22;
	v51 =	vsub.f32 v50, v54;
	v50 =	vld [tilespmem:s23+$0x2D0]  }
0x9e: {  	v61 =	vsub.f32 v37, v10;
	v38 =	vadd.f32 v38, v44;
	v44 =	vld [tilespmem:s23+$0x70]  }
0x9f: {  	v7 =	vadd.f32 v7, v25;
	v25 =	vld [tilespmem:s23+$0xA0];
	v13 =	vadd.f32 v13, v24  }
0xa0: {  	v21 =	vadd.f32 v21, v30;
	v24 =	vld [tilespmem:s23+$0xE0];
	v30 =	vsub.f32 v45, v5  }
0xa1: {  	v29 =	vsub.f32 v56, v3;
	v0 =	vadd.f32 v0, v13;
	v13 =	vld [tilespmem:s23+$0x150]  }
0xa2: {  	v63 =	vsub.f32 v43, v23;
	v37 =	vmul.f32 v61, v4;
	v55 =	vmul.f32 v30, v2;
	v30 =	vld [tilespmem:s23+$0xD0]  }
0xa3: {  	v60 =	vmul.f32 v59, v4;
	v8 =	vadd.f32 v52, v38;
	v2 =	vmul.f32 v29, v2;
	v29 =	vld [tilespmem:s23+$0xF0]  }
0xa4: {  	v38 =	vmul.f32 v62, v4;
	v4 =	vmul.f32 v63, v4;
	v61 =	vsub.f32 v40, v31;
	v40 =	vld [tilespmem:s23+$0x220]  }
0xa5: {  	v8 =	vadd.f32 v17, v8;
	v17 =	vld [tilespmem:s23+$0x170]  }
0xa6: {  	v4 =	vadd.f32 v4, v23;
	v23 =	vld [tilespmem:s23+$0x1C0];
	v5 =	vadd.f32 v55, v5  }
0xa7: {  	v2 =	vadd.f32 v2, v3;
	v3 =	vmul.f32 v57, v1;
	v57 =	vsub.f32 v34, v48;
	v34 =	vld [tilespmem:s23+$0x200]  }
0xa8: {  	v5 =	vadd.f32 v5, v21;
	v21 =	vld [tilespmem:s22+$0x20]  }
0xa9: {  	v1 =	vmul.f32 v58, v1;
	v3 =	vadd.f32 v3, v14;
	v14 =	vld [tilespmem:s23+$0x110]  }
0xaa: {  	v2 =	vadd.f32 v2, v7;
	v7 =	vld [tilespmem:s23+$0x120]  }
0xab: {  	v1 =	vadd.f32 v1, v9;
	v9 =	vadd.f32 v38, v19;
	v38 =	vld [tilespmem:s23+$0x1E0]  }
0xac: {  	v49 =	vsub.f32 v49, v33;
	v19 =	vld [tilespmem:s23+$0x1B0]  }
0xad: {  	v3 =	vadd.f32 v3, v5;
	v5 =	vadd.f32 v60, v16;
	v16 =	vld [tilespmem:s22+$0x30]  }
0xae: {  	v1 =	vadd.f32 v1, v2;
	v2 =	vadd.f32 v37, v10;
	v10 =	vld [tilespmem:s23+$0x180]  }
0xaf: {  	v56 =	vsub.f32 v35, v53;
	v6 =	vsub.f32 v6, v32;
	v37 =	vld [tilespmem:s23+$0x1A0]  }
0xb0: {  	v52 =	vmul.f32 v47, v11;
	v55 =	vmul.f32 v51, v15;
	v60 =	vsub.f32 v44, v41;
	v44 =	vld [tilespmem:s23+$0x270]  }
0xb1: {  	v63 =	vmul.f32 v61, v20;
	v24 =	vsub.f32 v24, v25;
	v43 =	vadd.f32 v9, v3;
	v3 =	vld [tilespmem:s23+$0x190]  }
0xb2: {  	v59 =	vmul.f32 v57, v15;
	v30 =	vsub.f32 v30, v12;
	v17 =	vsub.f32 v17, v36;
	v9 =	vld [tilespmem:s23+$0x1D0]  }
0xb3: {  	v5 =	vadd.f32 v5, v8;
	v8 =	vmul.f32 v39, v11;
	v0 =	vadd.f32 v2, v0;
	v39 =	vld [tilespmem:s23+$0x250]  }
0xb4: {  	v1 =	vadd.f32 v4, v1;
	v11 =	vmul.f32 v49, v11;
	v49 =	vld [tilespmem:s23+$0x2C0];
	v13 =	vsub.f32 v13, v14  }
0xb5: {  	v62 =	vmul.f32 v60, v15;
	v45 =	vadd.f32 v8, v26;
	v8 =	vadd.f32 v46, v28;
	v28 =	vld [tilespmem:s23+$0x1F0]  }
0xb6: {  	v18 =	vsub.f32 v18, v7;
	v6 =	vmul.f32 v6, v21;
	v46 =	vsub.f32 v29, v27;
	v29 =	vld [tilespmem:s22+$0x50]  }
0xb7: {  	v11 =	vadd.f32 v11, v33;
	v26 =	vmul.f32 v56, v15;
	v15 =	vadd.f32 v63, v31;
	v63 =	vld [tilespmem:s23+$0x350]  }
0xb8: {  	v31 =	vld [tilespmem:s23+$0x450];
	v6 =	vadd.f32 v6, v32;
	v4 =	vadd.f32 v45, v5  }
0xb9: {  	v33 =	vld [tilespmem:s23+$0x460];
	v0 =	vadd.f32 v8, v0;
	v5 =	vadd.f32 v52, v22  }
0xba: {  	v51 =	vmul.f32 v13, v21;
	v13 =	vld [tilespmem:s23+$0x2A0];
	v8 =	vadd.f32 v55, v54;
	v1 =	vadd.f32 v11, v1  }
0xbb: {  	v32 =	vld [tilespmem:s23+$0x360];
	v58 =	vadd.f32 v26, v53;
	v11 =	vadd.f32 v59, v48  }
0xbc: {  	v22 =	vld [tilespmem:s22+$0x40];
	v45 =	vmul.f32 v24, v20;
	v55 =	vsub.f32 v23, v10;
	v9 =	vsub.f32 v9, v3  }
0xbd: {  	v26 =	vld [tilespmem:s23+$0x210];
	v52 =	vmul.f32 v18, v21;
	v2 =	vadd.f32 v5, v43;
	v4 =	vadd.f32 v8, v4  }
0xbe: {  	v53 =	vld [tilespmem:s23+$0x2E0];
	v54 =	vmul.f32 v17, v21;
	v0 =	vadd.f32 v58, v0;
	v8 =	vadd.f32 v62, v41  }
0xbf: {  	v21 =	vld [tilespmem:s23+$0x2F0];
	v47 =	vadd.f32 v45, v25;
	v7 =	vadd.f32 v52, v7  }
0xc0: {  	v59 =	vld [tilespmem:s23+$0x340];
	v43 =	vmul.f32 v30, v20;
	v56 =	vadd.f32 v54, v36;
	v58 =	vsub.f32 v38, v37  }
0xc1: {  	v48 =	vmul.f32 v46, v20;
	v5 =	vld [tilespmem:s23+$0x240];
	v38 =	vsub.f32 v42, v40;
	v60 =	vsub.f32 v28, v19  }
0xc2: {  	v30 =	vld [tilespmem:s23+$0x230];
	v57 =	vmul.f32 v55, v16;
	v2 =	vadd.f32 v11, v2;
	v11 =	vadd.f32 v43, v12  }
0xc3: {  	v20 =	vld [tilespmem:s23+$0x290];
	v61 =	vmul.f32 v9, v16;
	v1 =	vadd.f32 v8, v1;
	v4 =	vadd.f32 v15, v4  }
0xc4: {  	v25 =	vld [tilespmem:s23+$0x310];
	v12 =	vadd.f32 v48, v27;
	v10 =	vadd.f32 v57, v10  }
0xc5: {  	v36 =	vld [tilespmem:s23+$0x370];
	v3 =	vadd.f32 v61, v3;
	v35 =	vsub.f32 v39, v26  }
0xc6: {  	v41 =	vld [tilespmem:s23+$0x3C0];
	v62 =	vmul.f32 v58, v16;
	v0 =	vadd.f32 v11, v0;
	v2 =	vadd.f32 v47, v2  }
0xc7: {  	v52 =	vld [tilespmem:s23+$0x3B0];
	v1 =	vadd.f32 v12, v1;
	v11 =	vadd.f32 v51, v14  }
0xc8: {  	v55 =	vld [tilespmem:s23+$0x3F0];
	v4 =	vadd.f32 v6, v4;
	v28 =	vadd.f32 v62, v37  }
0xc9: {  	v8 =	vld [tilespmem:s23+$0x280];
	v5 =	vsub.f32 v5, v34;
	v39 =	vsub.f32 v44, v30  }
0xca: {  	v48 =	vld [tilespmem:s23+$0x3A0];
	v27 =	vmul.f32 v60, v16;
	v46 =	vsub.f32 v50, v20;
	v50 =	vsub.f32 v53, v13  }
0xcb: {  	v14 =	vld [tilespmem:s23+$0x2B0];
	v37 =	vmul.f32 v35, v22;
	v0 =	vadd.f32 v11, v0;
	v2 =	vadd.f32 v7, v2  }
0xcc: {  	v12 =	vld [tilespmem:s23+$0x300];
	v1 =	vadd.f32 v56, v1;
	v4 =	vadd.f32 v10, v4  }
0xcd: {  	v47 =	vld [tilespmem:s23+$0x3D0];
	v10 =	vadd.f32 v27, v19;
	v5 =	vmul.f32 v5, v22;
	v7 =	vadd.f32 v37, v26  }
0xce: {  	v51 =	vld [tilespmem:s23+$0x3E0];
	v15 =	vsub.f32 v49, v8;
	v43 =	vmul.f32 v39, v22;
	v0 =	vadd.f32 v3, v0  }
0xcf: {  	v44 =	vld [tilespmem:s23+$0x390];
	v49 =	vmul.f32 v46, v29;
	v2 =	vadd.f32 v28, v2;
	v1 =	vadd.f32 v10, v1  }
0xd0: {  	v58 =	vld [tilespmem:s22+$0x80];
	v5 =	vadd.f32 v5, v34;
	v16 =	vadd.f32 v43, v30  }
0xd1: {  	v6 =	vld [tilespmem:s22+$0x60];
	v53 =	vadd.f32 v49, v20;
	v56 =	vsub.f32 v21, v14  }
0xd2: {  	v42 =	vmul.f32 v38, v22;
	v11 =	vld [tilespmem:s23+$0x320];
	v57 =	vsub.f32 v59, v12;
	v59 =	vsub.f32 v63, v25  }
0xd3: {  	v19 =	vld [tilespmem:s23+$0x330];
	v45 =	vmul.f32 v15, v29;
	v18 =	vsub.f32 v51, v48;
	v15 =	vsub.f32 v55, v52  }
0xd4: {  	v38 =	vld [tilespmem:s23+$0x470];
	v0 =	vadd.f32 v7, v0;
	v37 =	vsub.f32 v47, v44  }
0xd5: {  	v54 =	vmul.f32 v50, v29;
	v28 =	vld [tilespmem:s23+$0x380];
	v4 =	vadd.f32 v5, v4;
	v5 =	vadd.f32 v42, v40  }
0xd6: {  	v30 =	vld [tilespmem:s23+$0x410];
	v7 =	vadd.f32 v45, v8;
	v1 =	vadd.f32 v16, v1  }
0xd7: {  	v35 =	vld [tilespmem:s23+$0x430];
	v8 =	vadd.f32 v54, v13;
	v61 =	vmul.f32 v56, v29;
	v9 =	vsub.f32 v32, v11  }
0xd8: {  	v10 =	vld [tilespmem:s22+$0x70];
	v62 =	vmul.f32 v57, v6;
	v3 =	vsub.f32 v36, v19;
	v0 =	vadd.f32 v53, v0  }
0xd9: {  	v43 =	vld [tilespmem:s23+$0x490];
	v2 =	vadd.f32 v5, v2;
	v4 =	vadd.f32 v7, v4  }
0xda: {  	v29 =	vmul.f32 v59, v6;
	v32 =	vld [tilespmem:s23+$0x420];
	v7 =	vadd.f32 v61, v14;
	v12 =	vadd.f32 v62, v12  }
0xdb: {  	v45 =	vld [tilespmem:s23+$0x4D0];
	v9 =	vmul.f32 v9, v6;
	v36 =	vsub.f32 v41, v28;
	v46 =	vsub.f32 v31, v30  }
0xdc: {  	v60 =	vld [tilespmem:s23+$0x400];
	v3 =	vmul.f32 v3, v6;
	v2 =	vadd.f32 v8, v2;
	v8 =	vadd.f32 v29, v25  }
0xdd: {  	v63 =	vld [tilespmem:s23+$0x440];
	v1 =	vadd.f32 v7, v1;
	v4 =	vadd.f32 v12, v4  }
0xde: {  	v40 =	vld [tilespmem:s23+$0x480];
	v34 =	vadd.f32 v9, v11;
	v3 =	vadd.f32 v3, v19  }
0xdf: {  	v42 =	vld [tilespmem:s23+$0x4C0];
	v9 =	vmul.f32 v36, v10;
	v12 =	vsub.f32 v38, v35;
	v7 =	vsub.f32 v33, v32  }
0xe0: {  	v39 =	vld [tilespmem:s22+$0x90];
	v11 =	vmul.f32 v37, v10;
	v54 =	vsub.f32 v45, v43;
	v0 =	vadd.f32 v8, v0  }
0xe1: {  	v49 =	vld [tilespmem:s23+$0x4E0];
	v41 =	vmul.f32 v18, v10;
	v2 =	vadd.f32 v34, v2;
	v1 =	vadd.f32 v3, v1  }
0xe2: {  	v47 =	vld [tilespmem:s23+$0x4A0];
	v10 =	vmul.f32 v15, v10;
	v9 =	vadd.f32 v9, v28;
	v11 =	vadd.f32 v11, v44  }
0xe3: {  	v3 =	vadd.f32 v41, v48;
	v44 =	vsub.f32 v63, v60  }
0xe4: {  	v51 =	vld [tilespmem:s23+$0x4B0];
	v50 =	vmul.f32 v46, v58;
	v5 =	vadd.f32 v10, v52;
	v8 =	vsub.f32 v42, v40  }
0xe5: {  	v52 =	vld [tilespmem:s23+$0x4F0];
	v7 =	vmul.f32 v7, v58;
	v4 =	vadd.f32 v9, v4;
	v0 =	vadd.f32 v11, v0  }
0xe6: {  	v55 =	vmul.f32 v54, v39;
	v2 =	vadd.f32 v3, v2;
	v1 =	vadd.f32 v5, v1  }
0xe7: {  	v48 =	vmul.f32 v44, v58;
	v3 =	vadd.f32 v50, v30;
	v11 =	vsub.f32 v49, v47  }
0xe8: {  	v53 =	vmul.f32 v12, v58;
	v7 =	vadd.f32 v7, v32;
	v59 =	vadd.f32 v55, v43  }
0xe9: {  	v8 =	vmul.f32 v8, v39;
	v9 =	vadd.f32 v48, v60;
	v0 =	vadd.f32 v3, v0  }
0xea: {  	v3 =	vadd.f32 v53, v35;
	v56 =	vsub.f32 v52, v51  }
0xeb: {  	v57 =	vadd.f32 v8, v40;
	v58 =	vmul.f32 v11, v39;
	v2 =	vadd.f32 v7, v2  }
0xec: {  	v4 =	vadd.f32 v9, v4;
	v1 =	vadd.f32 v3, v1;
	v60 =	vmul.f32 v56, v39  }
0xed: {  	v61 =	vadd.f32 v58, v47;
	v0 =	vadd.f32 v59, v0  }
0xee: {  	v4 =	vadd.f32 v57, v4;
	v62 =	vadd.f32 v60, v51  }
0xef: {  	p0 =	sne.s32 s24, $0x3E00;
	v2 =	vadd.f32 v61, v2;
	v0 =	vmul.f32 $5.000000070e-02, v0  }
.Ltmp0:
0xf0: {  	s25 =	sshra.s32 s24, $0x2;
	v4 =	vmul.f32 $5.000000070e-02, v4;
	v1 =	vadd.f32 v62, v1;
	(pc) =	sbr.rel @p0 .LBB2_2-.Ltmp0, $4  }
0xf1: {  	v2 =	vmul.f32 $5.000000070e-02, v2;
	[tilespmem:s25+$0x16C10] =	vst v0  }
0xf2: {  	[tilespmem:s25+$0x16C00] =	vst v4;
	v63 =	vmul.f32 $5.000000070e-02, v1  }
0xf3: {  	[tilespmem:s25+$0x16C20] =	vst v2  }
0xf4: {  	s24 =	sadd.s32 $0x200, s24;
	s22 =	sadd.s32 $0x140, s22;
	s23 =	sadd.s32 $0xA00, s23;
	[tilespmem:s25+$0x16C30] =	vst v63  }
0xf5: {  	s21 =	sadd.s32 $0x1, s21  }
0xf6: {  	p0 =	sne.s32 s21, s7  }
.Ltmp1:
0xf7: {  	_ = 	snop;
	(pc) =	sbr.rel @p0 .LBB2_1-.Ltmp1, $4  }
0xf8: {  	[hbm4b:s6+s3] =	stream.linear.scatter [tilespmem:s20], [sflag:$0x2], $0x1000, $0x38;
	[tilespmem:$0x17C00] =	vst v63  }
0xf9: {  	_ =	swait.ge [sflag:s8], $0x1000  }
0xfa: {  	[sflag:s8] =	ssyncset.done $0x0  }
0xfb: {  	[sflag:s8] =	ssyncadd.s32 $0xFFFFF000  }
0xfc: {  	_ =	sfence.sel $0x180000  }
0xfd: {  	[bflag:$0x0] =	sbarrier.arrive $0xFFFF  }
0xfe: {  	p0 =	sne.s32 s1, $0x0;
	_ =	strace $0x90000047  }
0xff: {  	s0 =	sadd.s32 @!p0 $0x100000, s0;
	[bflag:$0x2] =	sbarrier.arrive $0xFFFF  }
0x100: {  	[sflag:s0] =	ssyncadd.tile.s32 @!p0 $0x1;
	_ =	shalt  }
.Lfunc_end2:
_tile_overlayer_lowered:
.L_overlay_start_2:
0x101: {  	(tag) =	ssettag $0x2  }
0x102: {  	s0 =	rddreg [dreg:$0x0];
	s2 =	stileid.u32  }
0x103: {  	s1 =	rddreg [dreg:$0x1];
	p0 =	sne.s32 s2, $0x0  }
0x104: {  	s3 =	rddreg [dreg:$0x2];
	[bflag:$0x3] =	sbarrier.arrive $0xFFFF;
	s2 =	simm.s32 @!p0 $0x1C02  }
0x105: {  	[timem:s3], [sflag:s2] =	dma.local @!p0 [hbm:s0], s1  }
0x106: {  	s0 =	simm.s32 @!p0 $0x2  }
0x107: {  	_ =	swait.ge @!p0 [sflag:s0], s1  }
0x108: {  	s1 =	ssub.s32 @!p0 $0x0, s1;
	[sflag:s0] =	ssyncset.done @!p0 $0x0  }
0x109: {  	[sflag:s0] =	ssyncadd.s32 @!p0 s1  }
0x10a: {  	[bflag:$0x3] =	sbarrier.arrive $0xFFFF  }
0x10b: {  	_ =	shalt  }

</sc_bundles>
